<compile_context>
chip_gen: v7x
topology: tpu7x:2x2x1
jax: 0.10.2.dev20260603
libtpu: 0.0.44.dev20260713+nightly
codegen_flags: <defaults>
</compile_context>

<pallas_src>
import functools

import jax
import jax.numpy as jnp
from jax import lax
from jax.experimental import pallas as pl
from jax.experimental.pallas import tpu as pltpu
from jax.experimental.pallas import tpu_sc as plsc

D = 128
L = 16
E = 80
NBUF = 2


@functools.lru_cache(maxsize=None)
def _make_decoder(N, B):
    info = plsc.get_sparse_core_info()
    NC, NS = info.num_cores, info.num_subcores
    NW = NC * NS
    assert B % NW == 0
    per_w = B // NW
    assert per_w % E == 0
    n_chunks = per_w // E
    mesh = plsc.VectorSubcoreMesh(core_axis_name="c", subcore_axis_name="s")

    @functools.partial(
        pl.kernel,
        out_type=jax.ShapeDtypeStruct((B,), jnp.float32),
        mesh=mesh,
        compiler_params=pltpu.CompilerParams(needs_layout_passes=False),
        scratch_types=[
            pltpu.VMEM((per_w,), jnp.int32),
            pltpu.VMEM((per_w,), jnp.int32),
            pltpu.VMEM((NBUF * E, D), jnp.float32),
            pltpu.VMEM((NBUF * E, D), jnp.float32),
            pltpu.VMEM((per_w,), jnp.float32),
            pltpu.VMEM((L, L), jnp.float32),
            pltpu.SemaphoreType.DMA((NBUF,)),
            pltpu.SemaphoreType.DMA((NBUF,)),
        ],
    )
    def decode(z_hbm, src_hbm, dst_hbm, out_hbm,
               sidx, didx, srows, drows, och, pbuf, sem_s, sem_d):
        wid = lax.axis_index("s") * NC + lax.axis_index("c")
        wbase = wid * per_w

        pltpu.sync_copy(src_hbm.at[pl.ds(wbase, per_w)], sidx)
        pltpu.sync_copy(dst_hbm.at[pl.ds(wbase, per_w)], didx)

        def start_gathers(c, buf):
            pltpu.async_copy(
                z_hbm.at[sidx.at[pl.ds(c * E, E)]],
                srows.at[pl.ds(buf * E, E)], sem_s.at[buf])
            pltpu.async_copy(
                z_hbm.at[didx.at[pl.ds(c * E, E)]],
                drows.at[pl.ds(buf * E, E)], sem_d.at[buf])

        def wait_gathers(c, buf):
            pltpu.make_async_copy(
                z_hbm.at[sidx.at[pl.ds(c * E, E)]],
                srows.at[pl.ds(buf * E, E)], sem_s.at[buf]).wait()
            pltpu.make_async_copy(
                z_hbm.at[didx.at[pl.ds(c * E, E)]],
                drows.at[pl.ds(buf * E, E)], sem_d.at[buf]).wait()

        start_gathers(0, 0)

        def chunk_body(c, carry):
            buf = lax.rem(c, NBUF)
            wait_gathers(c, buf)

            @pl.when(c + 1 < n_chunks)
            def _():
                start_gathers(c + 1, lax.rem(c + 1, NBUF))

            rbase = buf * E

            def group_body(g, carry2):
                lane = lax.iota(jnp.int32, L)
                ebase = rbase + g * L
                for l in range(L):
                    e = ebase + l
                    p = srows[e, pl.ds(0, L)] * drows[e, pl.ds(0, L)]
                    for k in range(1, D // L):
                        p = p + (srows[e, pl.ds(k * L, L)]
                                 * drows[e, pl.ds(k * L, L)])
                    pbuf[l, :] = p
                acc = jnp.zeros((L,), jnp.float32)
                cc = lane
                for _ in range(L):
                    acc = acc + plsc.load_gather(pbuf, [lane, cc])
                    cc = (cc + 1) & (L - 1)
                och[pl.ds(c * E + g * L, L)] = 1.0 / (1.0 + jnp.exp(-acc))
                return carry2

            lax.fori_loop(0, E // L, group_body, 0)
            return carry

        lax.fori_loop(0, n_chunks, chunk_body, 0)
        pltpu.sync_copy(och, out_hbm.at[pl.ds(wbase, per_w)])

    return decode


def kernel(z, edge_index):
    N = z.shape[0]
    B = edge_index.shape[1]
    decode = _make_decoder(N, B)
    return decode(z, edge_index[0], edge_index[1])

# --- scband reference (transcript-rebuilt; emitter-appended) ---
"""Pipeline reference for scband-inner-product-decoder-66314295050610 (READ-ONLY COPY).

The authoritative reference and input builder live on the scoring server;
editing this copy changes nothing except your own understanding.
"""

import jax, jax.numpy as jnp
import numpy as np


def setup_inputs(seed: int = 0) -> dict:
    key = jax.random.key(seed)
    k1, k2 = jax.random.split(key)
    z = jax.random.normal(k1, (10000, 128), dtype=jnp.float32)
    edge_index = jax.random.randint(k2, (2, 320000), 0, 10000, dtype=jnp.int64 if jax.config.jax_enable_x64 else jnp.int32).astype(jnp.int32)
    return {"z": z, "edge_index": edge_index}


def reference(z, edge_index):
    # InnerProductDecoder.forward with hidden_dim=None (no projection), sigmoid=True
    src = jnp.take(z, edge_index[0], axis=0)
    dst = jnp.take(z, edge_index[1], axis=0)
    value = (src * dst).sum(axis=1)
    return jax.nn.sigmoid(value)

if __name__ == "__main__":
    import jax
    _d = setup_inputs()
    print(jax.jit(kernel)(*tuple(_d.values())))

</pallas_src>

<mosaic_0001>
#map = affine_map<(d0, d1) -> (0, 0)>
#map1 = affine_map<(d0, d1) -> (0)>
module attributes {stable_mosaic.version = 14 : i64} {
  func.func @decode(%arg0: i32, %arg1: i32, %arg2: memref<10000x128xf32, #tpu.memory_space<hbm>>, %arg3: memref<320000xi32, #tpu.memory_space<hbm>>, %arg4: memref<320000xi32, #tpu.memory_space<hbm>>, %arg5: memref<320000xf32, #tpu.memory_space<hbm>>, %arg6: memref<10000xi32, #tpu.memory_space<vmem>>, %arg7: memref<10000xi32, #tpu.memory_space<vmem>>, %arg8: memref<160x128xf32, #tpu.memory_space<vmem>>, %arg9: memref<160x128xf32, #tpu.memory_space<vmem>>, %arg10: memref<10000xf32, #tpu.memory_space<vmem>>, %arg11: memref<16x16xf32, #tpu.memory_space<vmem>>, %arg12: memref<2x!tpu.dma_semaphore, #tpu.memory_space<semaphore_mem>>, %arg13: memref<2x!tpu.dma_semaphore, #tpu.memory_space<semaphore_mem>>) attributes {dimension_semantics = [#tpu.dimension_semantics<core_parallel>, #tpu.dimension_semantics<subcore_parallel>], iteration_bounds = array<i64: 2, 16>, scalar_prefetch = 0 : i64, scratch_operands = 8 : i64, tpu.core_type = #tpu.core_type<sc_vector_subcore>, window_params = [{transform_indices = #map}, {transform_indices = #map1}, {transform_indices = #map1}, {transform_indices = #map1}]} {
    %mul3A = arith.constant 2 : i32
    %mul3A_0 = arith.muli %arg1, %mul3A : i32
    %add3A = arith.addi %mul3A_0, %arg0 : i32
    %mul3A_1 = arith.constant 10000 : i32
    %mul3A_2 = arith.muli %add3A, %mul3A_1 : i32
    "tpu.region"() ({
      %run_scoped3A = tpu.sem_alloc : memref<!tpu.dma_semaphore, #tpu.memory_space<semaphore_mem>>
      %dma_start3A_29 = tpu.memref_slice %arg3[%mul3A_2] : memref<320000xi32, #tpu.memory_space<hbm>> -> memref<10000xi32, #tpu.memory_space<hbm>>
      %dma_start3A_30 = tpu.memref_slice %arg3[%mul3A_2] : memref<320000xi32, #tpu.memory_space<hbm>> -> memref<10000xi32, #tpu.memory_space<hbm>>
      tpu.enqueue_dma source(%dma_start3A_30 : memref<10000xi32, #tpu.memory_space<hbm>>) target(%arg6 : memref<10000xi32, #tpu.memory_space<vmem>>) target_semaphore(%run_scoped3A : memref<!tpu.dma_semaphore, #tpu.memory_space<semaphore_mem>>)
      %dma_wait3A = tpu.memref_slice %arg3[%mul3A_2] : memref<320000xi32, #tpu.memory_space<hbm>> -> memref<10000xi32, #tpu.memory_space<hbm>>
      %dma_wait3A_31 = tpu.memref_slice %arg3[%mul3A_2] : memref<320000xi32, #tpu.memory_space<hbm>> -> memref<10000xi32, #tpu.memory_space<hbm>>
      tpu.wait_dma2 semaphore(%run_scoped3A : memref<!tpu.dma_semaphore, #tpu.memory_space<semaphore_mem>>) src(%dma_wait3A_31 : memref<10000xi32, #tpu.memory_space<hbm>>) dst(%arg6 : memref<10000xi32, #tpu.memory_space<vmem>>)
      tpu.yield
    }) : () -> ()
    "tpu.region"() ({
      %run_scoped3A = tpu.sem_alloc : memref<!tpu.dma_semaphore, #tpu.memory_space<semaphore_mem>>
      %dma_start3A_29 = tpu.memref_slice %arg4[%mul3A_2] : memref<320000xi32, #tpu.memory_space<hbm>> -> memref<10000xi32, #tpu.memory_space<hbm>>
      %dma_start3A_30 = tpu.memref_slice %arg4[%mul3A_2] : memref<320000xi32, #tpu.memory_space<hbm>> -> memref<10000xi32, #tpu.memory_space<hbm>>
      tpu.enqueue_dma source(%dma_start3A_30 : memref<10000xi32, #tpu.memory_space<hbm>>) target(%arg7 : memref<10000xi32, #tpu.memory_space<vmem>>) target_semaphore(%run_scoped3A : memref<!tpu.dma_semaphore, #tpu.memory_space<semaphore_mem>>)
      %dma_wait3A = tpu.memref_slice %arg4[%mul3A_2] : memref<320000xi32, #tpu.memory_space<hbm>> -> memref<10000xi32, #tpu.memory_space<hbm>>
      %dma_wait3A_31 = tpu.memref_slice %arg4[%mul3A_2] : memref<320000xi32, #tpu.memory_space<hbm>> -> memref<10000xi32, #tpu.memory_space<hbm>>
      tpu.wait_dma2 semaphore(%run_scoped3A : memref<!tpu.dma_semaphore, #tpu.memory_space<semaphore_mem>>) src(%dma_wait3A_31 : memref<10000xi32, #tpu.memory_space<hbm>>) dst(%arg7 : memref<10000xi32, #tpu.memory_space<vmem>>)
      tpu.yield
    }) : () -> ()
    %dma_start3A = arith.constant 0 : i32
    %dma_start3A_3 = arith.constant 0 : i32
    %dma_start3A_4 = arith.constant 0 : i32
    %dma_start3A_5 = tpu.memref_slice %arg8[%dma_start3A_3, %dma_start3A_4] : memref<160x128xf32, #tpu.memory_space<vmem>> -> memref<80x128xf32, #tpu.memory_space<vmem>>
    %dma_start3A_6 = arith.constant 0 : i32
    %dma_start3A_7 = tpu.memref_slice %arg6[%dma_start3A_6] : memref<10000xi32, #tpu.memory_space<vmem>> -> memref<80xi32, #tpu.memory_space<vmem>>
    %dma_start3A_8 = arith.constant 0 : i32
    %dma_start3A_9 = arith.constant 0 : i32
    %dma_start3A_10 = tpu.memref_slice %arg2[%dma_start3A_8, %dma_start3A_9] : memref<10000x128xf32, #tpu.memory_space<hbm>> -> memref<10000x128xf32, #tpu.memory_space<hbm>>
    %dma_start3A_11 = tpu.memref_slice %arg12[%dma_start3A] : memref<2x!tpu.dma_semaphore, #tpu.memory_space<semaphore_mem>> -> memref<1x!tpu.dma_semaphore, #tpu.memory_space<semaphore_mem>>
    %dma_start3A_12 = tpu.memref_squeeze %dma_start3A_11 : memref<1x!tpu.dma_semaphore, #tpu.memory_space<semaphore_mem>> -> memref<!tpu.dma_semaphore, #tpu.memory_space<semaphore_mem>>
    tpu.enqueue_indirect_dma source(%dma_start3A_10 : memref<10000x128xf32, #tpu.memory_space<hbm>>) target(%dma_start3A_5 : memref<80x128xf32, #tpu.memory_space<vmem>>) offsets(%dma_start3A_7 : memref<80xi32, #tpu.memory_space<vmem>>) semaphore(%dma_start3A_12 : memref<!tpu.dma_semaphore, #tpu.memory_space<semaphore_mem>>)
    %dma_start3A_13 = arith.constant 0 : i32
    %dma_start3A_14 = arith.constant 0 : i32
    %dma_start3A_15 = arith.constant 0 : i32
    %dma_start3A_16 = tpu.memref_slice %arg9[%dma_start3A_14, %dma_start3A_15] : memref<160x128xf32, #tpu.memory_space<vmem>> -> memref<80x128xf32, #tpu.memory_space<vmem>>
    %dma_start3A_17 = arith.constant 0 : i32
    %dma_start3A_18 = tpu.memref_slice %arg7[%dma_start3A_17] : memref<10000xi32, #tpu.memory_space<vmem>> -> memref<80xi32, #tpu.memory_space<vmem>>
    %dma_start3A_19 = arith.constant 0 : i32
    %dma_start3A_20 = arith.constant 0 : i32
    %dma_start3A_21 = tpu.memref_slice %arg2[%dma_start3A_19, %dma_start3A_20] : memref<10000x128xf32, #tpu.memory_space<hbm>> -> memref<10000x128xf32, #tpu.memory_space<hbm>>
    %dma_start3A_22 = tpu.memref_slice %arg13[%dma_start3A_13] : memref<2x!tpu.dma_semaphore, #tpu.memory_space<semaphore_mem>> -> memref<1x!tpu.dma_semaphore, #tpu.memory_space<semaphore_mem>>
    %dma_start3A_23 = tpu.memref_squeeze %dma_start3A_22 : memref<1x!tpu.dma_semaphore, #tpu.memory_space<semaphore_mem>> -> memref<!tpu.dma_semaphore, #tpu.memory_space<semaphore_mem>>
    tpu.enqueue_indirect_dma source(%dma_start3A_21 : memref<10000x128xf32, #tpu.memory_space<hbm>>) target(%dma_start3A_16 : memref<80x128xf32, #tpu.memory_space<vmem>>) offsets(%dma_start3A_18 : memref<80xi32, #tpu.memory_space<vmem>>) semaphore(%dma_start3A_23 : memref<!tpu.dma_semaphore, #tpu.memory_space<semaphore_mem>>)
    %scan3A = arith.constant 0 : i32
    %scan3A_24 = arith.constant 0 : i32
    %scan3A_25 = arith.constant 125 : i32
    %scan3A_26 = arith.addi %scan3A_24, %scan3A_25 : i32
    %scan3A_27 = arith.constant 1 : i32
    scf.for %scan3A_29 = %scan3A_24 to %scan3A_26 step %scan3A_27  : i32 {
      %rem3A = arith.constant 2 : i32
      %rem3A_30 = arith.remsi %scan3A_29, %rem3A : i32
      %mul3A_31 = arith.constant 80 : i32
      %mul3A_32 = arith.muli %scan3A_29, %mul3A_31 : i32
      %mul3A_33 = arith.constant 80 : i32
      %mul3A_34 = arith.muli %rem3A_30, %mul3A_33 : i32
      %dma_wait3A = arith.constant 0 : i32
      %dma_wait3A_35 = tpu.memref_slice %arg8[%mul3A_34, %dma_wait3A] : memref<160x128xf32, #tpu.memory_space<vmem>> -> memref<80x128xf32, #tpu.memory_space<vmem>>
      %dma_wait3A_36 = tpu.memref_slice %arg6[%mul3A_32] : memref<10000xi32, #tpu.memory_space<vmem>> -> memref<80xi32, #tpu.memory_space<vmem>>
      %dma_wait3A_37 = arith.constant 0 : i32
      %dma_wait3A_38 = arith.constant 0 : i32
      %dma_wait3A_39 = tpu.memref_slice %arg2[%dma_wait3A_37, %dma_wait3A_38] : memref<10000x128xf32, #tpu.memory_space<hbm>> -> memref<10000x128xf32, #tpu.memory_space<hbm>>
      %dma_wait3A_40 = tpu.memref_slice %arg12[%rem3A_30] : memref<2x!tpu.dma_semaphore, #tpu.memory_space<semaphore_mem>> -> memref<1x!tpu.dma_semaphore, #tpu.memory_space<semaphore_mem>>
      %dma_wait3A_41 = tpu.memref_squeeze %dma_wait3A_40 : memref<1x!tpu.dma_semaphore, #tpu.memory_space<semaphore_mem>> -> memref<!tpu.dma_semaphore, #tpu.memory_space<semaphore_mem>>
      tpu.wait_indirect_dma semaphore(%dma_wait3A_41 : memref<!tpu.dma_semaphore, #tpu.memory_space<semaphore_mem>>) src(%dma_wait3A_39 : memref<10000x128xf32, #tpu.memory_space<hbm>>) dst(%dma_wait3A_35 : memref<80x128xf32, #tpu.memory_space<vmem>>)
      %mul3A_42 = arith.constant 80 : i32
      %mul3A_43 = arith.muli %scan3A_29, %mul3A_42 : i32
      %mul3A_44 = arith.constant 80 : i32
      %mul3A_45 = arith.muli %rem3A_30, %mul3A_44 : i32
      %dma_wait3A_46 = arith.constant 0 : i32
      %dma_wait3A_47 = tpu.memref_slice %arg9[%mul3A_45, %dma_wait3A_46] : memref<160x128xf32, #tpu.memory_space<vmem>> -> memref<80x128xf32, #tpu.memory_space<vmem>>
      %dma_wait3A_48 = tpu.memref_slice %arg7[%mul3A_43] : memref<10000xi32, #tpu.memory_space<vmem>> -> memref<80xi32, #tpu.memory_space<vmem>>
      %dma_wait3A_49 = arith.constant 0 : i32
      %dma_wait3A_50 = arith.constant 0 : i32
      %dma_wait3A_51 = tpu.memref_slice %arg2[%dma_wait3A_49, %dma_wait3A_50] : memref<10000x128xf32, #tpu.memory_space<hbm>> -> memref<10000x128xf32, #tpu.memory_space<hbm>>
      %dma_wait3A_52 = tpu.memref_slice %arg13[%rem3A_30] : memref<2x!tpu.dma_semaphore, #tpu.memory_space<semaphore_mem>> -> memref<1x!tpu.dma_semaphore, #tpu.memory_space<semaphore_mem>>
      %dma_wait3A_53 = tpu.memref_squeeze %dma_wait3A_52 : memref<1x!tpu.dma_semaphore, #tpu.memory_space<semaphore_mem>> -> memref<!tpu.dma_semaphore, #tpu.memory_space<semaphore_mem>>
      tpu.wait_indirect_dma semaphore(%dma_wait3A_53 : memref<!tpu.dma_semaphore, #tpu.memory_space<semaphore_mem>>) src(%dma_wait3A_51 : memref<10000x128xf32, #tpu.memory_space<hbm>>) dst(%dma_wait3A_47 : memref<80x128xf32, #tpu.memory_space<vmem>>)
      %add3A_54 = arith.constant 1 : i32
      %add3A_55 = arith.addi %scan3A_29, %add3A_54 : i32
      %lt3A = arith.constant 125 : i32
      %lt3A_56 = arith.cmpi slt, %add3A_55, %lt3A : i32
      %convert_element_type3A = arith.extui %lt3A_56 : i1 to i32
      %cond3A = arith.constant 0 : i32
      %cond3A_57 = arith.cmpi ne, %convert_element_type3A, %cond3A : i32
      scf.if %cond3A_57 {
        %add3A_66 = arith.constant 1 : i32
        %add3A_67 = arith.addi %scan3A_29, %add3A_66 : i32
        %add3A_68 = arith.constant 1 : i32
        %add3A_69 = arith.addi %scan3A_29, %add3A_68 : i32
        %rem3A_70 = arith.constant 2 : i32
        %rem3A_71 = arith.remsi %add3A_69, %rem3A_70 : i32
        %mul3A_72 = arith.constant 80 : i32
        %mul3A_73 = arith.muli %add3A_67, %mul3A_72 : i32
        %mul3A_74 = arith.constant 80 : i32
        %mul3A_75 = arith.muli %rem3A_71, %mul3A_74 : i32
        %dma_start3A_76 = arith.constant 0 : i32
        %dma_start3A_77 = tpu.memref_slice %arg8[%mul3A_75, %dma_start3A_76] : memref<160x128xf32, #tpu.memory_space<vmem>> -> memref<80x128xf32, #tpu.memory_space<vmem>>
        %dma_start3A_78 = tpu.memref_slice %arg6[%mul3A_73] : memref<10000xi32, #tpu.memory_space<vmem>> -> memref<80xi32, #tpu.memory_space<vmem>>
        %dma_start3A_79 = arith.constant 0 : i32
        %dma_start3A_80 = arith.constant 0 : i32
        %dma_start3A_81 = tpu.memref_slice %arg2[%dma_start3A_79, %dma_start3A_80] : memref<10000x128xf32, #tpu.memory_space<hbm>> -> memref<10000x128xf32, #tpu.memory_space<hbm>>
        %dma_start3A_82 = tpu.memref_slice %arg12[%rem3A_71] : memref<2x!tpu.dma_semaphore, #tpu.memory_space<semaphore_mem>> -> memref<1x!tpu.dma_semaphore, #tpu.memory_space<semaphore_mem>>
        %dma_start3A_83 = tpu.memref_squeeze %dma_start3A_82 : memref<1x!tpu.dma_semaphore, #tpu.memory_space<semaphore_mem>> -> memref<!tpu.dma_semaphore, #tpu.memory_space<semaphore_mem>>
        tpu.enqueue_indirect_dma source(%dma_start3A_81 : memref<10000x128xf32, #tpu.memory_space<hbm>>) target(%dma_start3A_77 : memref<80x128xf32, #tpu.memory_space<vmem>>) offsets(%dma_start3A_78 : memref<80xi32, #tpu.memory_space<vmem>>) semaphore(%dma_start3A_83 : memref<!tpu.dma_semaphore, #tpu.memory_space<semaphore_mem>>)
        %mul3A_84 = arith.constant 80 : i32
        %mul3A_85 = arith.muli %add3A_67, %mul3A_84 : i32
        %mul3A_86 = arith.constant 80 : i32
        %mul3A_87 = arith.muli %rem3A_71, %mul3A_86 : i32
        %dma_start3A_88 = arith.constant 0 : i32
        %dma_start3A_89 = tpu.memref_slice %arg9[%mul3A_87, %dma_start3A_88] : memref<160x128xf32, #tpu.memory_space<vmem>> -> memref<80x128xf32, #tpu.memory_space<vmem>>
        %dma_start3A_90 = tpu.memref_slice %arg7[%mul3A_85] : memref<10000xi32, #tpu.memory_space<vmem>> -> memref<80xi32, #tpu.memory_space<vmem>>
        %dma_start3A_91 = arith.constant 0 : i32
        %dma_start3A_92 = arith.constant 0 : i32
        %dma_start3A_93 = tpu.memref_slice %arg2[%dma_start3A_91, %dma_start3A_92] : memref<10000x128xf32, #tpu.memory_space<hbm>> -> memref<10000x128xf32, #tpu.memory_space<hbm>>
        %dma_start3A_94 = tpu.memref_slice %arg13[%rem3A_71] : memref<2x!tpu.dma_semaphore, #tpu.memory_space<semaphore_mem>> -> memref<1x!tpu.dma_semaphore, #tpu.memory_space<semaphore_mem>>
        %dma_start3A_95 = tpu.memref_squeeze %dma_start3A_94 : memref<1x!tpu.dma_semaphore, #tpu.memory_space<semaphore_mem>> -> memref<!tpu.dma_semaphore, #tpu.memory_space<semaphore_mem>>
        tpu.enqueue_indirect_dma source(%dma_start3A_93 : memref<10000x128xf32, #tpu.memory_space<hbm>>) target(%dma_start3A_89 : memref<80x128xf32, #tpu.memory_space<vmem>>) offsets(%dma_start3A_90 : memref<80xi32, #tpu.memory_space<vmem>>) semaphore(%dma_start3A_95 : memref<!tpu.dma_semaphore, #tpu.memory_space<semaphore_mem>>)
      } else {
      }
      %mul3A_58 = arith.constant 80 : i32
      %mul3A_59 = arith.muli %rem3A_30, %mul3A_58 : i32
      %scan3A_60 = arith.constant 0 : i32
      %scan3A_61 = arith.constant 0 : i32
      %scan3A_62 = arith.constant 5 : i32
      %scan3A_63 = arith.addi %scan3A_61, %scan3A_62 : i32
      %scan3A_64 = arith.constant 1 : i32
      scf.for %scan3A_66 = %scan3A_61 to %scan3A_63 step %scan3A_64  : i32 {
        %iota3A = tpu.iota {dimensions = array<i32: 0>} : vector<16xi32>
        %mul3A_67 = arith.constant 16 : i32
        %mul3A_68 = arith.muli %scan3A_66, %mul3A_67 : i32
        %add3A_69 = arith.addi %mul3A_59, %mul3A_68 : i32
        %add3A_70 = arith.constant 0 : i32
        %add3A_71 = arith.addi %add3A_69, %add3A_70 : i32
        %get3A = arith.index_cast %add3A_71 : i32 to index
        %get3A_72 = arith.constant 0 : index
        %get3A_73 = tpu.vector_load %arg8[%get3A, %get3A_72] {strides = array<i32>} : memref<160x128xf32, #tpu.memory_space<vmem>>, vector<16xf32>,
        %get3A_74 = arith.index_cast %add3A_71 : i32 to index
        %get3A_75 = arith.constant 0 : index
        %get3A_76 = tpu.vector_load %arg9[%get3A_74, %get3A_75] {strides = array<i32>} : memref<160x128xf32, #tpu.memory_space<vmem>>, vector<16xf32>,
        %mul3A_77 = arith.mulf %get3A_73, %get3A_76 : vector<16xf32>
        %get3A_78 = arith.index_cast %add3A_71 : i32 to index
        %get3A_79 = arith.constant 16 : index
        %get3A_80 = tpu.vector_load %arg8[%get3A_78, %get3A_79] {strides = array<i32>} : memref<160x128xf32, #tpu.memory_space<vmem>>, vector<16xf32>,
        %get3A_81 = arith.index_cast %add3A_71 : i32 to index
        %get3A_82 = arith.constant 16 : index
        %get3A_83 = tpu.vector_load %arg9[%get3A_81, %get3A_82] {strides = array<i32>} : memref<160x128xf32, #tpu.memory_space<vmem>>, vector<16xf32>,
        %mul3A_84 = arith.mulf %get3A_80, %get3A_83 : vector<16xf32>
        %add3A_85 = arith.addf %mul3A_77, %mul3A_84 : vector<16xf32>
        %get3A_86 = arith.index_cast %add3A_71 : i32 to index
        %get3A_87 = arith.constant 32 : index
        %get3A_88 = tpu.vector_load %arg8[%get3A_86, %get3A_87] {strides = array<i32>} : memref<160x128xf32, #tpu.memory_space<vmem>>, vector<16xf32>,
        %get3A_89 = arith.index_cast %add3A_71 : i32 to index
        %get3A_90 = arith.constant 32 : index
        %get3A_91 = tpu.vector_load %arg9[%get3A_89, %get3A_90] {strides = array<i32>} : memref<160x128xf32, #tpu.memory_space<vmem>>, vector<16xf32>,
        %mul3A_92 = arith.mulf %get3A_88, %get3A_91 : vector<16xf32>
        %add3A_93 = arith.addf %add3A_85, %mul3A_92 : vector<16xf32>
        %get3A_94 = arith.index_cast %add3A_71 : i32 to index
        %get3A_95 = arith.constant 48 : index
        %get3A_96 = tpu.vector_load %arg8[%get3A_94, %get3A_95] {strides = array<i32>} : memref<160x128xf32, #tpu.memory_space<vmem>>, vector<16xf32>,
        %get3A_97 = arith.index_cast %add3A_71 : i32 to index
        %get3A_98 = arith.constant 48 : index
        %get3A_99 = tpu.vector_load %arg9[%get3A_97, %get3A_98] {strides = array<i32>} : memref<160x128xf32, #tpu.memory_space<vmem>>, vector<16xf32>,
        %mul3A_100 = arith.mulf %get3A_96, %get3A_99 : vector<16xf32>
        %add3A_101 = arith.addf %add3A_93, %mul3A_100 : vector<16xf32>
        %get3A_102 = arith.index_cast %add3A_71 : i32 to index
        %get3A_103 = arith.constant 64 : index
        %get3A_104 = tpu.vector_load %arg8[%get3A_102, %get3A_103] {strides = array<i32>} : memref<160x128xf32, #tpu.memory_space<vmem>>, vector<16xf32>,
        %get3A_105 = arith.index_cast %add3A_71 : i32 to index
        %get3A_106 = arith.constant 64 : index
        %get3A_107 = tpu.vector_load %arg9[%get3A_105, %get3A_106] {strides = array<i32>} : memref<160x128xf32, #tpu.memory_space<vmem>>, vector<16xf32>,
        %mul3A_108 = arith.mulf %get3A_104, %get3A_107 : vector<16xf32>
        %add3A_109 = arith.addf %add3A_101, %mul3A_108 : vector<16xf32>
        %get3A_110 = arith.index_cast %add3A_71 : i32 to index
        %get3A_111 = arith.constant 80 : index
        %get3A_112 = tpu.vector_load %arg8[%get3A_110, %get3A_111] {strides = array<i32>} : memref<160x128xf32, #tpu.memory_space<vmem>>, vector<16xf32>,
        %get3A_113 = arith.index_cast %add3A_71 : i32 to index
        %get3A_114 = arith.constant 80 : index
        %get3A_115 = tpu.vector_load %arg9[%get3A_113, %get3A_114] {strides = array<i32>} : memref<160x128xf32, #tpu.memory_space<vmem>>, vector<16xf32>,
        %mul3A_116 = arith.mulf %get3A_112, %get3A_115 : vector<16xf32>
        %add3A_117 = arith.addf %add3A_109, %mul3A_116 : vector<16xf32>
        %get3A_118 = arith.index_cast %add3A_71 : i32 to index
        %get3A_119 = arith.constant 96 : index
        %get3A_120 = tpu.vector_load %arg8[%get3A_118, %get3A_119] {strides = array<i32>} : memref<160x128xf32, #tpu.memory_space<vmem>>, vector<16xf32>,
        %get3A_121 = arith.index_cast %add3A_71 : i32 to index
        %get3A_122 = arith.constant 96 : index
        %get3A_123 = tpu.vector_load %arg9[%get3A_121, %get3A_122] {strides = array<i32>} : memref<160x128xf32, #tpu.memory_space<vmem>>, vector<16xf32>,
        %mul3A_124 = arith.mulf %get3A_120, %get3A_123 : vector<16xf32>
        %add3A_125 = arith.addf %add3A_117, %mul3A_124 : vector<16xf32>
        %get3A_126 = arith.index_cast %add3A_71 : i32 to index
        %get3A_127 = arith.constant 112 : index
        %get3A_128 = tpu.vector_load %arg8[%get3A_126, %get3A_127] {strides = array<i32>} : memref<160x128xf32, #tpu.memory_space<vmem>>, vector<16xf32>,
        %get3A_129 = arith.index_cast %add3A_71 : i32 to index
        %get3A_130 = arith.constant 112 : index
        %get3A_131 = tpu.vector_load %arg9[%get3A_129, %get3A_130] {strides = array<i32>} : memref<160x128xf32, #tpu.memory_space<vmem>>, vector<16xf32>,
        %mul3A_132 = arith.mulf %get3A_128, %get3A_131 : vector<16xf32>
        %add3A_133 = arith.addf %add3A_125, %mul3A_132 : vector<16xf32>
        %swap3A = arith.constant 0 : i32
        %swap3A_134 = arith.index_cast %swap3A : i32 to index
        %swap3A_135 = arith.constant 0 : index
        %swap3A_136 = tpu.vector_load %arg11[%swap3A_134, %swap3A_135] {strides = array<i32>} : memref<16x16xf32, #tpu.memory_space<vmem>>, vector<16xf32>,
        tpu.vector_store %arg11[%swap3A_134, %swap3A_135], %add3A_133 {strides = array<i32>} : memref<16x16xf32, #tpu.memory_space<vmem>>, vector<16xf32>,
        %add3A_137 = arith.constant 1 : i32
        %add3A_138 = arith.addi %add3A_69, %add3A_137 : i32
        %get3A_139 = arith.index_cast %add3A_138 : i32 to index
        %get3A_140 = arith.constant 0 : index
        %get3A_141 = tpu.vector_load %arg8[%get3A_139, %get3A_140] {strides = array<i32>} : memref<160x128xf32, #tpu.memory_space<vmem>>, vector<16xf32>,
        %get3A_142 = arith.index_cast %add3A_138 : i32 to index
        %get3A_143 = arith.constant 0 : index
        %get3A_144 = tpu.vector_load %arg9[%get3A_142, %get3A_143] {strides = array<i32>} : memref<160x128xf32, #tpu.memory_space<vmem>>, vector<16xf32>,
        %mul3A_145 = arith.mulf %get3A_141, %get3A_144 : vector<16xf32>
        %get3A_146 = arith.index_cast %add3A_138 : i32 to index
        %get3A_147 = arith.constant 16 : index
        %get3A_148 = tpu.vector_load %arg8[%get3A_146, %get3A_147] {strides = array<i32>} : memref<160x128xf32, #tpu.memory_space<vmem>>, vector<16xf32>,
        %get3A_149 = arith.index_cast %add3A_138 : i32 to index
        %get3A_150 = arith.constant 16 : index
        %get3A_151 = tpu.vector_load %arg9[%get3A_149, %get3A_150] {strides = array<i32>} : memref<160x128xf32, #tpu.memory_space<vmem>>, vector<16xf32>,
        %mul3A_152 = arith.mulf %get3A_148, %get3A_151 : vector<16xf32>
        %add3A_153 = arith.addf %mul3A_145, %mul3A_152 : vector<16xf32>
        %get3A_154 = arith.index_cast %add3A_138 : i32 to index
        %get3A_155 = arith.constant 32 : index
        %get3A_156 = tpu.vector_load %arg8[%get3A_154, %get3A_155] {strides = array<i32>} : memref<160x128xf32, #tpu.memory_space<vmem>>, vector<16xf32>,
        %get3A_157 = arith.index_cast %add3A_138 : i32 to index
        %get3A_158 = arith.constant 32 : index
        %get3A_159 = tpu.vector_load %arg9[%get3A_157, %get3A_158] {strides = array<i32>} : memref<160x128xf32, #tpu.memory_space<vmem>>, vector<16xf32>,
        %mul3A_160 = arith.mulf %get3A_156, %get3A_159 : vector<16xf32>
        %add3A_161 = arith.addf %add3A_153, %mul3A_160 : vector<16xf32>
        %get3A_162 = arith.index_cast %add3A_138 : i32 to index
        %get3A_163 = arith.constant 48 : index
        %get3A_164 = tpu.vector_load %arg8[%get3A_162, %get3A_163] {strides = array<i32>} : memref<160x128xf32, #tpu.memory_space<vmem>>, vector<16xf32>,
        %get3A_165 = arith.index_cast %add3A_138 : i32 to index
        %get3A_166 = arith.constant 48 : index
        %get3A_167 = tpu.vector_load %arg9[%get3A_165, %get3A_166] {strides = array<i32>} : memref<160x128xf32, #tpu.memory_space<vmem>>, vector<16xf32>,
        %mul3A_168 = arith.mulf %get3A_164, %get3A_167 : vector<16xf32>
        %add3A_169 = arith.addf %add3A_161, %mul3A_168 : vector<16xf32>
        %get3A_170 = arith.index_cast %add3A_138 : i32 to index
        %get3A_171 = arith.constant 64 : index
        %get3A_172 = tpu.vector_load %arg8[%get3A_170, %get3A_171] {strides = array<i32>} : memref<160x128xf32, #tpu.memory_space<vmem>>, vector<16xf32>,
        %get3A_173 = arith.index_cast %add3A_138 : i32 to index
        %get3A_174 = arith.constant 64 : index
        %get3A_175 = tpu.vector_load %arg9[%get3A_173, %get3A_174] {strides = array<i32>} : memref<160x128xf32, #tpu.memory_space<vmem>>, vector<16xf32>,
        %mul3A_176 = arith.mulf %get3A_172, %get3A_175 : vector<16xf32>
        %add3A_177 = arith.addf %add3A_169, %mul3A_176 : vector<16xf32>
        %get3A_178 = arith.index_cast %add3A_138 : i32 to index
        %get3A_179 = arith.constant 80 : index
        %get3A_180 = tpu.vector_load %arg8[%get3A_178, %get3A_179] {strides = array<i32>} : memref<160x128xf32, #tpu.memory_space<vmem>>, vector<16xf32>,
        %get3A_181 = arith.index_cast %add3A_138 : i32 to index
        %get3A_182 = arith.constant 80 : index
        %get3A_183 = tpu.vector_load %arg9[%get3A_181, %get3A_182] {strides = array<i32>} : memref<160x128xf32, #tpu.memory_space<vmem>>, vector<16xf32>,
        %mul3A_184 = arith.mulf %get3A_180, %get3A_183 : vector<16xf32>
        %add3A_185 = arith.addf %add3A_177, %mul3A_184 : vector<16xf32>
        %get3A_186 = arith.index_cast %add3A_138 : i32 to index
        %get3A_187 = arith.constant 96 : index
        %get3A_188 = tpu.vector_load %arg8[%get3A_186, %get3A_187] {strides = array<i32>} : memref<160x128xf32, #tpu.memory_space<vmem>>, vector<16xf32>,
        %get3A_189 = arith.index_cast %add3A_138 : i32 to index
        %get3A_190 = arith.constant 96 : index
        %get3A_191 = tpu.vector_load %arg9[%get3A_189, %get3A_190] {strides = array<i32>} : memref<160x128xf32, #tpu.memory_space<vmem>>, vector<16xf32>,
        %mul3A_192 = arith.mulf %get3A_188, %get3A_191 : vector<16xf32>
        %add3A_193 = arith.addf %add3A_185, %mul3A_192 : vector<16xf32>
        %get3A_194 = arith.index_cast %add3A_138 : i32 to index
        %get3A_195 = arith.constant 112 : index
        %get3A_196 = tpu.vector_load %arg8[%get3A_194, %get3A_195] {strides = array<i32>} : memref<160x128xf32, #tpu.memory_space<vmem>>, vector<16xf32>,
        %get3A_197 = arith.index_cast %add3A_138 : i32 to index
        %get3A_198 = arith.constant 112 : index
        %get3A_199 = tpu.vector_load %arg9[%get3A_197, %get3A_198] {strides = array<i32>} : memref<160x128xf32, #tpu.memory_space<vmem>>, vector<16xf32>,
        %mul3A_200 = arith.mulf %get3A_196, %get3A_199 : vector<16xf32>
        %add3A_201 = arith.addf %add3A_193, %mul3A_200 : vector<16xf32>
        %swap3A_202 = arith.constant 1 : i32
        %swap3A_203 = arith.index_cast %swap3A_202 : i32 to index
        %swap3A_204 = arith.constant 0 : index
        %swap3A_205 = tpu.vector_load %arg11[%swap3A_203, %swap3A_204] {strides = array<i32>} : memref<16x16xf32, #tpu.memory_space<vmem>>, vector<16xf32>,
        tpu.vector_store %arg11[%swap3A_203, %swap3A_204], %add3A_201 {strides = array<i32>} : memref<16x16xf32, #tpu.memory_space<vmem>>, vector<16xf32>,
        %add3A_206 = arith.constant 2 : i32
        %add3A_207 = arith.addi %add3A_69, %add3A_206 : i32
        %get3A_208 = arith.index_cast %add3A_207 : i32 to index
        %get3A_209 = arith.constant 0 : index
        %get3A_210 = tpu.vector_load %arg8[%get3A_208, %get3A_209] {strides = array<i32>} : memref<160x128xf32, #tpu.memory_space<vmem>>, vector<16xf32>,
        %get3A_211 = arith.index_cast %add3A_207 : i32 to index
        %get3A_212 = arith.constant 0 : index
        %get3A_213 = tpu.vector_load %arg9[%get3A_211, %get3A_212] {strides = array<i32>} : memref<160x128xf32, #tpu.memory_space<vmem>>, vector<16xf32>,
        %mul3A_214 = arith.mulf %get3A_210, %get3A_213 : vector<16xf32>
        %get3A_215 = arith.index_cast %add3A_207 : i32 to index
        %get3A_216 = arith.constant 16 : index
        %get3A_217 = tpu.vector_load %arg8[%get3A_215, %get3A_216] {strides = array<i32>} : memref<160x128xf32, #tpu.memory_space<vmem>>, vector<16xf32>,
        %get3A_218 = arith.index_cast %add3A_207 : i32 to index
        %get3A_219 = arith.constant 16 : index
        %get3A_220 = tpu.vector_load %arg9[%get3A_218, %get3A_219] {strides = array<i32>} : memref<160x128xf32, #tpu.memory_space<vmem>>, vector<16xf32>,
        %mul3A_221 = arith.mulf %get3A_217, %get3A_220 : vector<16xf32>
        %add3A_222 = arith.addf %mul3A_214, %mul3A_221 : vector<16xf32>
        %get3A_223 = arith.index_cast %add3A_207 : i32 to index
        %get3A_224 = arith.constant 32 : index
        %get3A_225 = tpu.vector_load %arg8[%get3A_223, %get3A_224] {strides = array<i32>} : memref<160x128xf32, #tpu.memory_space<vmem>>, vector<16xf32>,
        %get3A_226 = arith.index_cast %add3A_207 : i32 to index
        %get3A_227 = arith.constant 32 : index
        %get3A_228 = tpu.vector_load %arg9[%get3A_226, %get3A_227] {strides = array<i32>} : memref<160x128xf32, #tpu.memory_space<vmem>>, vector<16xf32>,
        %mul3A_229 = arith.mulf %get3A_225, %get3A_228 : vector<16xf32>
        %add3A_230 = arith.addf %add3A_222, %mul3A_229 : vector<16xf32>
        %get3A_231 = arith.index_cast %add3A_207 : i32 to index
        %get3A_232 = arith.constant 48 : index
        %get3A_233 = tpu.vector_load %arg8[%get3A_231, %get3A_232] {strides = array<i32>} : memref<160x128xf32, #tpu.memory_space<vmem>>, vector<16xf32>,
        %get3A_234 = arith.index_cast %add3A_207 : i32 to index
        %get3A_235 = arith.constant 48 : index
        %get3A_236 = tpu.vector_load %arg9[%get3A_234, %get3A_235] {strides = array<i32>} : memref<160x128xf32, #tpu.memory_space<vmem>>, vector<16xf32>,
        %mul3A_237 = arith.mulf %get3A_233, %get3A_236 : vector<16xf32>
        %add3A_238 = arith.addf %add3A_230, %mul3A_237 : vector<16xf32>
        %get3A_239 = arith.index_cast %add3A_207 : i32 to index
        %get3A_240 = arith.constant 64 : index
        %get3A_241 = tpu.vector_load %arg8[%get3A_239, %get3A_240] {strides = array<i32>} : memref<160x128xf32, #tpu.memory_space<vmem>>, vector<16xf32>,
        %get3A_242 = arith.index_cast %add3A_207 : i32 to index
        %get3A_243 = arith.constant 64 : index
        %get3A_244 = tpu.vector_load %arg9[%get3A_242, %get3A_243] {strides = array<i32>} : memref<160x128xf32, #tpu.memory_space<vmem>>, vector<16xf32>,
        %mul3A_245 = arith.mulf %get3A_241, %get3A_244 : vector<16xf32>
        %add3A_246 = arith.addf %add3A_238, %mul3A_245 : vector<16xf32>
        %get3A_247 = arith.index_cast %add3A_207 : i32 to index
        %get3A_248 = arith.constant 80 : index
        %get3A_249 = tpu.vector_load %arg8[%get3A_247, %get3A_248] {strides = array<i32>} : memref<160x128xf32, #tpu.memory_space<vmem>>, vector<16xf32>,
        %get3A_250 = arith.index_cast %add3A_207 : i32 to index
        %get3A_251 = arith.constant 80 : index
        %get3A_252 = tpu.vector_load %arg9[%get3A_250, %get3A_251] {strides = array<i32>} : memref<160x128xf32, #tpu.memory_space<vmem>>, vector<16xf32>,
        %mul3A_253 = arith.mulf %get3A_249, %get3A_252 : vector<16xf32>
        %add3A_254 = arith.addf %add3A_246, %mul3A_253 : vector<16xf32>
        %get3A_255 = arith.index_cast %add3A_207 : i32 to index
        %get3A_256 = arith.constant 96 : index
        %get3A_257 = tpu.vector_load %arg8[%get3A_255, %get3A_256] {strides = array<i32>} : memref<160x128xf32, #tpu.memory_space<vmem>>, vector<16xf32>,
        %get3A_258 = arith.index_cast %add3A_207 : i32 to index
        %get3A_259 = arith.constant 96 : index
        %get3A_260 = tpu.vector_load %arg9[%get3A_258, %get3A_259] {strides = array<i32>} : memref<160x128xf32, #tpu.memory_space<vmem>>, vector<16xf32>,
        %mul3A_261 = arith.mulf %get3A_257, %get3A_260 : vector<16xf32>
        %add3A_262 = arith.addf %add3A_254, %mul3A_261 : vector<16xf32>
        %get3A_263 = arith.index_cast %add3A_207 : i32 to index
        %get3A_264 = arith.constant 112 : index
        %get3A_265 = tpu.vector_load %arg8[%get3A_263, %get3A_264] {strides = array<i32>} : memref<160x128xf32, #tpu.memory_space<vmem>>, vector<16xf32>,
        %get3A_266 = arith.index_cast %add3A_207 : i32 to index
        %get3A_267 = arith.constant 112 : index
        %get3A_268 = tpu.vector_load %arg9[%get3A_266, %get3A_267] {strides = array<i32>} : memref<160x128xf32, #tpu.memory_space<vmem>>, vector<16xf32>,
        %mul3A_269 = arith.mulf %get3A_265, %get3A_268 : vector<16xf32>
        %add3A_270 = arith.addf %add3A_262, %mul3A_269 : vector<16xf32>
        %swap3A_271 = arith.constant 2 : i32
        %swap3A_272 = arith.index_cast %swap3A_271 : i32 to index
        %swap3A_273 = arith.constant 0 : index
        %swap3A_274 = tpu.vector_load %arg11[%swap3A_272, %swap3A_273] {strides = array<i32>} : memref<16x16xf32, #tpu.memory_space<vmem>>, vector<16xf32>,
        tpu.vector_store %arg11[%swap3A_272, %swap3A_273], %add3A_270 {strides = array<i32>} : memref<16x16xf32, #tpu.memory_space<vmem>>, vector<16xf32>,
        %add3A_275 = arith.constant 3 : i32
        %add3A_276 = arith.addi %add3A_69, %add3A_275 : i32
        %get3A_277 = arith.index_cast %add3A_276 : i32 to index
        %get3A_278 = arith.constant 0 : index
        %get3A_279 = tpu.vector_load %arg8[%get3A_277, %get3A_278] {strides = array<i32>} : memref<160x128xf32, #tpu.memory_space<vmem>>, vector<16xf32>,
        %get3A_280 = arith.index_cast %add3A_276 : i32 to index
        %get3A_281 = arith.constant 0 : index
        %get3A_282 = tpu.vector_load %arg9[%get3A_280, %get3A_281] {strides = array<i32>} : memref<160x128xf32, #tpu.memory_space<vmem>>, vector<16xf32>,
        %mul3A_283 = arith.mulf %get3A_279, %get3A_282 : vector<16xf32>
        %get3A_284 = arith.index_cast %add3A_276 : i32 to index
        %get3A_285 = arith.constant 16 : index
        %get3A_286 = tpu.vector_load %arg8[%get3A_284, %get3A_285] {strides = array<i32>} : memref<160x128xf32, #tpu.memory_space<vmem>>, vector<16xf32>,
        %get3A_287 = arith.index_cast %add3A_276 : i32 to index
        %get3A_288 = arith.constant 16 : index
        %get3A_289 = tpu.vector_load %arg9[%get3A_287, %get3A_288] {strides = array<i32>} : memref<160x128xf32, #tpu.memory_space<vmem>>, vector<16xf32>,
        %mul3A_290 = arith.mulf %get3A_286, %get3A_289 : vector<16xf32>
        %add3A_291 = arith.addf %mul3A_283, %mul3A_290 : vector<16xf32>
        %get3A_292 = arith.index_cast %add3A_276 : i32 to index
        %get3A_293 = arith.constant 32 : index
        %get3A_294 = tpu.vector_load %arg8[%get3A_292, %get3A_293] {strides = array<i32>} : memref<160x128xf32, #tpu.memory_space<vmem>>, vector<16xf32>,
        %get3A_295 = arith.index_cast %add3A_276 : i32 to index
        %get3A_296 = arith.constant 32 : index
        %get3A_297 = tpu.vector_load %arg9[%get3A_295, %get3A_296] {strides = array<i32>} : memref<160x128xf32, #tpu.memory_space<vmem>>, vector<16xf32>,
        %mul3A_298 = arith.mulf %get3A_294, %get3A_297 : vector<16xf32>
        %add3A_299 = arith.addf %add3A_291, %mul3A_298 : vector<16xf32>
        %get3A_300 = arith.index_cast %add3A_276 : i32 to index
        %get3A_301 = arith.constant 48 : index
        %get3A_302 = tpu.vector_load %arg8[%get3A_300, %get3A_301] {strides = array<i32>} : memref<160x128xf32, #tpu.memory_space<vmem>>, vector<16xf32>,
        %get3A_303 = arith.index_cast %add3A_276 : i32 to index
        %get3A_304 = arith.constant 48 : index
        %get3A_305 = tpu.vector_load %arg9[%get3A_303, %get3A_304] {strides = array<i32>} : memref<160x128xf32, #tpu.memory_space<vmem>>, vector<16xf32>,
        %mul3A_306 = arith.mulf %get3A_302, %get3A_305 : vector<16xf32>
        %add3A_307 = arith.addf %add3A_299, %mul3A_306 : vector<16xf32>
        %get3A_308 = arith.index_cast %add3A_276 : i32 to index
        %get3A_309 = arith.constant 64 : index
        %get3A_310 = tpu.vector_load %arg8[%get3A_308, %get3A_309] {strides = array<i32>} : memref<160x128xf32, #tpu.memory_space<vmem>>, vector<16xf32>,
        %get3A_311 = arith.index_cast %add3A_276 : i32 to index
        %get3A_312 = arith.constant 64 : index
        %get3A_313 = tpu.vector_load %arg9[%get3A_311, %get3A_312] {strides = array<i32>} : memref<160x128xf32, #tpu.memory_space<vmem>>, vector<16xf32>,
        %mul3A_314 = arith.mulf %get3A_310, %get3A_313 : vector<16xf32>
        %add3A_315 = arith.addf %add3A_307, %mul3A_314 : vector<16xf32>
        %get3A_316 = arith.index_cast %add3A_276 : i32 to index
        %get3A_317 = arith.constant 80 : index
        %get3A_318 = tpu.vector_load %arg8[%get3A_316, %get3A_317] {strides = array<i32>} : memref<160x128xf32, #tpu.memory_space<vmem>>, vector<16xf32>,
        %get3A_319 = arith.index_cast %add3A_276 : i32 to index
        %get3A_320 = arith.constant 80 : index
        %get3A_321 = tpu.vector_load %arg9[%get3A_319, %get3A_320] {strides = array<i32>} : memref<160x128xf32, #tpu.memory_space<vmem>>, vector<16xf32>,
        %mul3A_322 = arith.mulf %get3A_318, %get3A_321 : vector<16xf32>
        %add3A_323 = arith.addf %add3A_315, %mul3A_322 : vector<16xf32>
        %get3A_324 = arith.index_cast %add3A_276 : i32 to index
        %get3A_325 = arith.constant 96 : index
        %get3A_326 = tpu.vector_load %arg8[%get3A_324, %get3A_325] {strides = array<i32>} : memref<160x128xf32, #tpu.memory_space<vmem>>, vector<16xf32>,
        %get3A_327 = arith.index_cast %add3A_276 : i32 to index
        %get3A_328 = arith.constant 96 : index
        %get3A_329 = tpu.vector_load %arg9[%get3A_327, %get3A_328] {strides = array<i32>} : memref<160x128xf32, #tpu.memory_space<vmem>>, vector<16xf32>,
        %mul3A_330 = arith.mulf %get3A_326, %get3A_329 : vector<16xf32>
        %add3A_331 = arith.addf %add3A_323, %mul3A_330 : vector<16xf32>
        %get3A_332 = arith.index_cast %add3A_276 : i32 to index
        %get3A_333 = arith.constant 112 : index
        %get3A_334 = tpu.vector_load %arg8[%get3A_332, %get3A_333] {strides = array<i32>} : memref<160x128xf32, #tpu.memory_space<vmem>>, vector<16xf32>,
        %get3A_335 = arith.index_cast %add3A_276 : i32 to index
        %get3A_336 = arith.constant 112 : index
        %get3A_337 = tpu.vector_load %arg9[%get3A_335, %get3A_336] {strides = array<i32>} : memref<160x128xf32, #tpu.memory_space<vmem>>, vector<16xf32>,
        %mul3A_338 = arith.mulf %get3A_334, %get3A_337 : vector<16xf32>
        %add3A_339 = arith.addf %add3A_331, %mul3A_338 : vector<16xf32>
        %swap3A_340 = arith.constant 3 : i32
        %swap3A_341 = arith.index_cast %swap3A_340 : i32 to index
        %swap3A_342 = arith.constant 0 : index
        %swap3A_343 = tpu.vector_load %arg11[%swap3A_341, %swap3A_342] {strides = array<i32>} : memref<16x16xf32, #tpu.memory_space<vmem>>, vector<16xf32>,
        tpu.vector_store %arg11[%swap3A_341, %swap3A_342], %add3A_339 {strides = array<i32>} : memref<16x16xf32, #tpu.memory_space<vmem>>, vector<16xf32>,
        %add3A_344 = arith.constant 4 : i32
        %add3A_345 = arith.addi %add3A_69, %add3A_344 : i32
        %get3A_346 = arith.index_cast %add3A_345 : i32 to index
        %get3A_347 = arith.constant 0 : index
        %get3A_348 = tpu.vector_load %arg8[%get3A_346, %get3A_347] {strides = array<i32>} : memref<160x128xf32, #tpu.memory_space<vmem>>, vector<16xf32>,
        %get3A_349 = arith.index_cast %add3A_345 : i32 to index
        %get3A_350 = arith.constant 0 : index
        %get3A_351 = tpu.vector_load %arg9[%get3A_349, %get3A_350] {strides = array<i32>} : memref<160x128xf32, #tpu.memory_space<vmem>>, vector<16xf32>,
        %mul3A_352 = arith.mulf %get3A_348, %get3A_351 : vector<16xf32>
        %get3A_353 = arith.index_cast %add3A_345 : i32 to index
        %get3A_354 = arith.constant 16 : index
        %get3A_355 = tpu.vector_load %arg8[%get3A_353, %get3A_354] {strides = array<i32>} : memref<160x128xf32, #tpu.memory_space<vmem>>, vector<16xf32>,
        %get3A_356 = arith.index_cast %add3A_345 : i32 to index
        %get3A_357 = arith.constant 16 : index
        %get3A_358 = tpu.vector_load %arg9[%get3A_356, %get3A_357] {strides = array<i32>} : memref<160x128xf32, #tpu.memory_space<vmem>>, vector<16xf32>,
        %mul3A_359 = arith.mulf %get3A_355, %get3A_358 : vector<16xf32>
        %add3A_360 = arith.addf %mul3A_352, %mul3A_359 : vector<16xf32>
        %get3A_361 = arith.index_cast %add3A_345 : i32 to index
        %get3A_362 = arith.constant 32 : index
        %get3A_363 = tpu.vector_load %arg8[%get3A_361, %get3A_362] {strides = array<i32>} : memref<160x128xf32, #tpu.memory_space<vmem>>, vector<16xf32>,
        %get3A_364 = arith.index_cast %add3A_345 : i32 to index
        %get3A_365 = arith.constant 32 : index
        %get3A_366 = tpu.vector_load %arg9[%get3A_364, %get3A_365] {strides = array<i32>} : memref<160x128xf32, #tpu.memory_space<vmem>>, vector<16xf32>,
        %mul3A_367 = arith.mulf %get3A_363, %get3A_366 : vector<16xf32>
        %add3A_368 = arith.addf %add3A_360, %mul3A_367 : vector<16xf32>
        %get3A_369 = arith.index_cast %add3A_345 : i32 to index
        %get3A_370 = arith.constant 48 : index
        %get3A_371 = tpu.vector_load %arg8[%get3A_369, %get3A_370] {strides = array<i32>} : memref<160x128xf32, #tpu.memory_space<vmem>>, vector<16xf32>,
        %get3A_372 = arith.index_cast %add3A_345 : i32 to index
        %get3A_373 = arith.constant 48 : index
        %get3A_374 = tpu.vector_load %arg9[%get3A_372, %get3A_373] {strides = array<i32>} : memref<160x128xf32, #tpu.memory_space<vmem>>, vector<16xf32>,
        %mul3A_375 = arith.mulf %get3A_371, %get3A_374 : vector<16xf32>
        %add3A_376 = arith.addf %add3A_368, %mul3A_375 : vector<16xf32>
        %get3A_377 = arith.index_cast %add3A_345 : i32 to index
        %get3A_378 = arith.constant 64 : index
        %get3A_379 = tpu.vector_load %arg8[%get3A_377, %get3A_378] {strides = array<i32>} : memref<160x128xf32, #tpu.memory_space<vmem>>, vector<16xf32>,
        %get3A_380 = arith.index_cast %add3A_345 : i32 to index
        %get3A_381 = arith.constant 64 : index
        %get3A_382 = tpu.vector_load %arg9[%get3A_380, %get3A_381] {strides = array<i32>} : memref<160x128xf32, #tpu.memory_space<vmem>>, vector<16xf32>,
        %mul3A_383 = arith.mulf %get3A_379, %get3A_382 : vector<16xf32>
        %add3A_384 = arith.addf %add3A_376, %mul3A_383 : vector<16xf32>
        %get3A_385 = arith.index_cast %add3A_345 : i32 to index
        %get3A_386 = arith.constant 80 : index
        %get3A_387 = tpu.vector_load %arg8[%get3A_385, %get3A_386] {strides = array<i32>} : memref<160x128xf32, #tpu.memory_space<vmem>>, vector<16xf32>,
        %get3A_388 = arith.index_cast %add3A_345 : i32 to index
        %get3A_389 = arith.constant 80 : index
        %get3A_390 = tpu.vector_load %arg9[%get3A_388, %get3A_389] {strides = array<i32>} : memref<160x128xf32, #tpu.memory_space<vmem>>, vector<16xf32>,
        %mul3A_391 = arith.mulf %get3A_387, %get3A_390 : vector<16xf32>
        %add3A_392 = arith.addf %add3A_384, %mul3A_391 : vector<16xf32>
        %get3A_393 = arith.index_cast %add3A_345 : i32 to index
        %get3A_394 = arith.constant 96 : index
        %get3A_395 = tpu.vector_load %arg8[%get3A_393, %get3A_394] {strides = array<i32>} : memref<160x128xf32, #tpu.memory_space<vmem>>, vector<16xf32>,
        %get3A_396 = arith.index_cast %add3A_345 : i32 to index
        %get3A_397 = arith.constant 96 : index
        %get3A_398 = tpu.vector_load %arg9[%get3A_396, %get3A_397] {strides = array<i32>} : memref<160x128xf32, #tpu.memory_space<vmem>>, vector<16xf32>,
        %mul3A_399 = arith.mulf %get3A_395, %get3A_398 : vector<16xf32>
        %add3A_400 = arith.addf %add3A_392, %mul3A_399 : vector<16xf32>
        %get3A_401 = arith.index_cast %add3A_345 : i32 to index
        %get3A_402 = arith.constant 112 : index
        %get3A_403 = tpu.vector_load %arg8[%get3A_401, %get3A_402] {strides = array<i32>} : memref<160x128xf32, #tpu.memory_space<vmem>>, vector<16xf32>,
        %get3A_404 = arith.index_cast %add3A_345 : i32 to index
        %get3A_405 = arith.constant 112 : index
        %get3A_406 = tpu.vector_load %arg9[%get3A_404, %get3A_405] {strides = array<i32>} : memref<160x128xf32, #tpu.memory_space<vmem>>, vector<16xf32>,
        %mul3A_407 = arith.mulf %get3A_403, %get3A_406 : vector<16xf32>
        %add3A_408 = arith.addf %add3A_400, %mul3A_407 : vector<16xf32>
        %swap3A_409 = arith.constant 4 : i32
        %swap3A_410 = arith.index_cast %swap3A_409 : i32 to index
        %swap3A_411 = arith.constant 0 : index
        %swap3A_412 = tpu.vector_load %arg11[%swap3A_410, %swap3A_411] {strides = array<i32>} : memref<16x16xf32, #tpu.memory_space<vmem>>, vector<16xf32>,
        tpu.vector_store %arg11[%swap3A_410, %swap3A_411], %add3A_408 {strides = array<i32>} : memref<16x16xf32, #tpu.memory_space<vmem>>, vector<16xf32>,
        %add3A_413 = arith.constant 5 : i32
        %add3A_414 = arith.addi %add3A_69, %add3A_413 : i32
        %get3A_415 = arith.index_cast %add3A_414 : i32 to index
        %get3A_416 = arith.constant 0 : index
        %get3A_417 = tpu.vector_load %arg8[%get3A_415, %get3A_416] {strides = array<i32>} : memref<160x128xf32, #tpu.memory_space<vmem>>, vector<16xf32>,
        %get3A_418 = arith.index_cast %add3A_414 : i32 to index
        %get3A_419 = arith.constant 0 : index
        %get3A_420 = tpu.vector_load %arg9[%get3A_418, %get3A_419] {strides = array<i32>} : memref<160x128xf32, #tpu.memory_space<vmem>>, vector<16xf32>,
        %mul3A_421 = arith.mulf %get3A_417, %get3A_420 : vector<16xf32>
        %get3A_422 = arith.index_cast %add3A_414 : i32 to index
        %get3A_423 = arith.constant 16 : index
        %get3A_424 = tpu.vector_load %arg8[%get3A_422, %get3A_423] {strides = array<i32>} : memref<160x128xf32, #tpu.memory_space<vmem>>, vector<16xf32>,
        %get3A_425 = arith.index_cast %add3A_414 : i32 to index
        %get3A_426 = arith.constant 16 : index
        %get3A_427 = tpu.vector_load %arg9[%get3A_425, %get3A_426] {strides = array<i32>} : memref<160x128xf32, #tpu.memory_space<vmem>>, vector<16xf32>,
        %mul3A_428 = arith.mulf %get3A_424, %get3A_427 : vector<16xf32>
        %add3A_429 = arith.addf %mul3A_421, %mul3A_428 : vector<16xf32>
        %get3A_430 = arith.index_cast %add3A_414 : i32 to index
        %get3A_431 = arith.constant 32 : index
        %get3A_432 = tpu.vector_load %arg8[%get3A_430, %get3A_431] {strides = array<i32>} : memref<160x128xf32, #tpu.memory_space<vmem>>, vector<16xf32>,
        %get3A_433 = arith.index_cast %add3A_414 : i32 to index
        %get3A_434 = arith.constant 32 : index
        %get3A_435 = tpu.vector_load %arg9[%get3A_433, %get3A_434] {strides = array<i32>} : memref<160x128xf32, #tpu.memory_space<vmem>>, vector<16xf32>,
        %mul3A_436 = arith.mulf %get3A_432, %get3A_435 : vector<16xf32>
        %add3A_437 = arith.addf %add3A_429, %mul3A_436 : vector<16xf32>
        %get3A_438 = arith.index_cast %add3A_414 : i32 to index
        %get3A_439 = arith.constant 48 : index
        %get3A_440 = tpu.vector_load %arg8[%get3A_438, %get3A_439] {strides = array<i32>} : memref<160x128xf32, #tpu.memory_space<vmem>>, vector<16xf32>,
        %get3A_441 = arith.index_cast %add3A_414 : i32 to index
        %get3A_442 = arith.constant 48 : index
        %get3A_443 = tpu.vector_load %arg9[%get3A_441, %get3A_442] {strides = array<i32>} : memref<160x128xf32, #tpu.memory_space<vmem>>, vector<16xf32>,
        %mul3A_444 = arith.mulf %get3A_440, %get3A_443 : vector<16xf32>
        %add3A_445 = arith.addf %add3A_437, %mul3A_444 : vector<16xf32>
        %get3A_446 = arith.index_cast %add3A_414 : i32 to index
        %get3A_447 = arith.constant 64 : index
        %get3A_448 = tpu.vector_load %arg8[%get3A_446, %get3A_447] {strides = array<i32>} : memref<160x128xf32, #tpu.memory_space<vmem>>, vector<16xf32>,
        %get3A_449 = arith.index_cast %add3A_414 : i32 to index
        %get3A_450 = arith.constant 64 : index
        %get3A_451 = tpu.vector_load %arg9[%get3A_449, %get3A_450] {strides = array<i32>} : memref<160x128xf32, #tpu.memory_space<vmem>>, vector<16xf32>,
        %mul3A_452 = arith.mulf %get3A_448, %get3A_451 : vector<16xf32>
        %add3A_453 = arith.addf %add3A_445, %mul3A_452 : vector<16xf32>
        %get3A_454 = arith.index_cast %add3A_414 : i32 to index
        %get3A_455 = arith.constant 80 : index
        %get3A_456 = tpu.vector_load %arg8[%get3A_454, %get3A_455] {strides = array<i32>} : memref<160x128xf32, #tpu.memory_space<vmem>>, vector<16xf32>,
        %get3A_457 = arith.index_cast %add3A_414 : i32 to index
        %get3A_458 = arith.constant 80 : index
        %get3A_459 = tpu.vector_load %arg9[%get3A_457, %get3A_458] {strides = array<i32>} : memref<160x128xf32, #tpu.memory_space<vmem>>, vector<16xf32>,
        %mul3A_460 = arith.mulf %get3A_456, %get3A_459 : vector<16xf32>
        %add3A_461 = arith.addf %add3A_453, %mul3A_460 : vector<16xf32>
        %get3A_462 = arith.index_cast %add3A_414 : i32 to index
        %get3A_463 = arith.constant 96 : index
        %get3A_464 = tpu.vector_load %arg8[%get3A_462, %get3A_463] {strides = array<i32>} : memref<160x128xf32, #tpu.memory_space<vmem>>, vector<16xf32>,
        %get3A_465 = arith.index_cast %add3A_414 : i32 to index
        %get3A_466 = arith.constant 96 : index
        %get3A_467 = tpu.vector_load %arg9[%get3A_465, %get3A_466] {strides = array<i32>} : memref<160x128xf32, #tpu.memory_space<vmem>>, vector<16xf32>,
        %mul3A_468 = arith.mulf %get3A_464, %get3A_467 : vector<16xf32>
        %add3A_469 = arith.addf %add3A_461, %mul3A_468 : vector<16xf32>
        %get3A_470 = arith.index_cast %add3A_414 : i32 to index
        %get3A_471 = arith.constant 112 : index
        %get3A_472 = tpu.vector_load %arg8[%get3A_470, %get3A_471] {strides = array<i32>} : memref<160x128xf32, #tpu.memory_space<vmem>>, vector<16xf32>,
        %get3A_473 = arith.index_cast %add3A_414 : i32 to index
        %get3A_474 = arith.constant 112 : index
        %get3A_475 = tpu.vector_load %arg9[%get3A_473, %get3A_474] {strides = array<i32>} : memref<160x128xf32, #tpu.memory_space<vmem>>, vector<16xf32>,
        %mul3A_476 = arith.mulf %get3A_472, %get3A_475 : vector<16xf32>
        %add3A_477 = arith.addf %add3A_469, %mul3A_476 : vector<16xf32>
        %swap3A_478 = arith.constant 5 : i32
        %swap3A_479 = arith.index_cast %swap3A_478 : i32 to index
        %swap3A_480 = arith.constant 0 : index
        %swap3A_481 = tpu.vector_load %arg11[%swap3A_479, %swap3A_480] {strides = array<i32>} : memref<16x16xf32, #tpu.memory_space<vmem>>, vector<16xf32>,
        tpu.vector_store %arg11[%swap3A_479, %swap3A_480], %add3A_477 {strides = array<i32>} : memref<16x16xf32, #tpu.memory_space<vmem>>, vector<16xf32>,
        %add3A_482 = arith.constant 6 : i32
        %add3A_483 = arith.addi %add3A_69, %add3A_482 : i32
        %get3A_484 = arith.index_cast %add3A_483 : i32 to index
        %get3A_485 = arith.constant 0 : index
        %get3A_486 = tpu.vector_load %arg8[%get3A_484, %get3A_485] {strides = array<i32>} : memref<160x128xf32, #tpu.memory_space<vmem>>, vector<16xf32>,
        %get3A_487 = arith.index_cast %add3A_483 : i32 to index
        %get3A_488 = arith.constant 0 : index
        %get3A_489 = tpu.vector_load %arg9[%get3A_487, %get3A_488] {strides = array<i32>} : memref<160x128xf32, #tpu.memory_space<vmem>>, vector<16xf32>,
        %mul3A_490 = arith.mulf %get3A_486, %get3A_489 : vector<16xf32>
        %get3A_491 = arith.index_cast %add3A_483 : i32 to index
        %get3A_492 = arith.constant 16 : index
        %get3A_493 = tpu.vector_load %arg8[%get3A_491, %get3A_492] {strides = array<i32>} : memref<160x128xf32, #tpu.memory_space<vmem>>, vector<16xf32>,
        %get3A_494 = arith.index_cast %add3A_483 : i32 to index
        %get3A_495 = arith.constant 16 : index
        %get3A_496 = tpu.vector_load %arg9[%get3A_494, %get3A_495] {strides = array<i32>} : memref<160x128xf32, #tpu.memory_space<vmem>>, vector<16xf32>,
        %mul3A_497 = arith.mulf %get3A_493, %get3A_496 : vector<16xf32>
        %add3A_498 = arith.addf %mul3A_490, %mul3A_497 : vector<16xf32>
        %get3A_499 = arith.index_cast %add3A_483 : i32 to index
        %get3A_500 = arith.constant 32 : index
        %get3A_501 = tpu.vector_load %arg8[%get3A_499, %get3A_500] {strides = array<i32>} : memref<160x128xf32, #tpu.memory_space<vmem>>, vector<16xf32>,
        %get3A_502 = arith.index_cast %add3A_483 : i32 to index
        %get3A_503 = arith.constant 32 : index
        %get3A_504 = tpu.vector_load %arg9[%get3A_502, %get3A_503] {strides = array<i32>} : memref<160x128xf32, #tpu.memory_space<vmem>>, vector<16xf32>,
        %mul3A_505 = arith.mulf %get3A_501, %get3A_504 : vector<16xf32>
        %add3A_506 = arith.addf %add3A_498, %mul3A_505 : vector<16xf32>
        %get3A_507 = arith.index_cast %add3A_483 : i32 to index
        %get3A_508 = arith.constant 48 : index
        %get3A_509 = tpu.vector_load %arg8[%get3A_507, %get3A_508] {strides = array<i32>} : memref<160x128xf32, #tpu.memory_space<vmem>>, vector<16xf32>,
        %get3A_510 = arith.index_cast %add3A_483 : i32 to index
        %get3A_511 = arith.constant 48 : index
        %get3A_512 = tpu.vector_load %arg9[%get3A_510, %get3A_511] {strides = array<i32>} : memref<160x128xf32, #tpu.memory_space<vmem>>, vector<16xf32>,
        %mul3A_513 = arith.mulf %get3A_509, %get3A_512 : vector<16xf32>
        %add3A_514 = arith.addf %add3A_506, %mul3A_513 : vector<16xf32>
        %get3A_515 = arith.index_cast %add3A_483 : i32 to index
        %get3A_516 = arith.constant 64 : index
        %get3A_517 = tpu.vector_load %arg8[%get3A_515, %get3A_516] {strides = array<i32>} : memref<160x128xf32, #tpu.memory_space<vmem>>, vector<16xf32>,
        %get3A_518 = arith.index_cast %add3A_483 : i32 to index
        %get3A_519 = arith.constant 64 : index
        %get3A_520 = tpu.vector_load %arg9[%get3A_518, %get3A_519] {strides = array<i32>} : memref<160x128xf32, #tpu.memory_space<vmem>>, vector<16xf32>,
        %mul3A_521 = arith.mulf %get3A_517, %get3A_520 : vector<16xf32>
        %add3A_522 = arith.addf %add3A_514, %mul3A_521 : vector<16xf32>
        %get3A_523 = arith.index_cast %add3A_483 : i32 to index
        %get3A_524 = arith.constant 80 : index
        %get3A_525 = tpu.vector_load %arg8[%get3A_523, %get3A_524] {strides = array<i32>} : memref<160x128xf32, #tpu.memory_space<vmem>>, vector<16xf32>,
        %get3A_526 = arith.index_cast %add3A_483 : i32 to index
        %get3A_527 = arith.constant 80 : index
        %get3A_528 = tpu.vector_load %arg9[%get3A_526, %get3A_527] {strides = array<i32>} : memref<160x128xf32, #tpu.memory_space<vmem>>, vector<16xf32>,
        %mul3A_529 = arith.mulf %get3A_525, %get3A_528 : vector<16xf32>
        %add3A_530 = arith.addf %add3A_522, %mul3A_529 : vector<16xf32>
        %get3A_531 = arith.index_cast %add3A_483 : i32 to index
        %get3A_532 = arith.constant 96 : index
        %get3A_533 = tpu.vector_load %arg8[%get3A_531, %get3A_532] {strides = array<i32>} : memref<160x128xf32, #tpu.memory_space<vmem>>, vector<16xf32>,
        %get3A_534 = arith.index_cast %add3A_483 : i32 to index
        %get3A_535 = arith.constant 96 : index
        %get3A_536 = tpu.vector_load %arg9[%get3A_534, %get3A_535] {strides = array<i32>} : memref<160x128xf32, #tpu.memory_space<vmem>>, vector<16xf32>,
        %mul3A_537 = arith.mulf %get3A_533, %get3A_536 : vector<16xf32>
        %add3A_538 = arith.addf %add3A_530, %mul3A_537 : vector<16xf32>
        %get3A_539 = arith.index_cast %add3A_483 : i32 to index
        %get3A_540 = arith.constant 112 : index
        %get3A_541 = tpu.vector_load %arg8[%get3A_539, %get3A_540] {strides = array<i32>} : memref<160x128xf32, #tpu.memory_space<vmem>>, vector<16xf32>,
        %get3A_542 = arith.index_cast %add3A_483 : i32 to index
        %get3A_543 = arith.constant 112 : index
        %get3A_544 = tpu.vector_load %arg9[%get3A_542, %get3A_543] {strides = array<i32>} : memref<160x128xf32, #tpu.memory_space<vmem>>, vector<16xf32>,
        %mul3A_545 = arith.mulf %get3A_541, %get3A_544 : vector<16xf32>
        %add3A_546 = arith.addf %add3A_538, %mul3A_545 : vector<16xf32>
        %swap3A_547 = arith.constant 6 : i32
        %swap3A_548 = arith.index_cast %swap3A_547 : i32 to index
        %swap3A_549 = arith.constant 0 : index
        %swap3A_550 = tpu.vector_load %arg11[%swap3A_548, %swap3A_549] {strides = array<i32>} : memref<16x16xf32, #tpu.memory_space<vmem>>, vector<16xf32>,
        tpu.vector_store %arg11[%swap3A_548, %swap3A_549], %add3A_546 {strides = array<i32>} : memref<16x16xf32, #tpu.memory_space<vmem>>, vector<16xf32>,
        %add3A_551 = arith.constant 7 : i32
        %add3A_552 = arith.addi %add3A_69, %add3A_551 : i32
        %get3A_553 = arith.index_cast %add3A_552 : i32 to index
        %get3A_554 = arith.constant 0 : index
        %get3A_555 = tpu.vector_load %arg8[%get3A_553, %get3A_554] {strides = array<i32>} : memref<160x128xf32, #tpu.memory_space<vmem>>, vector<16xf32>,
        %get3A_556 = arith.index_cast %add3A_552 : i32 to index
        %get3A_557 = arith.constant 0 : index
        %get3A_558 = tpu.vector_load %arg9[%get3A_556, %get3A_557] {strides = array<i32>} : memref<160x128xf32, #tpu.memory_space<vmem>>, vector<16xf32>,
        %mul3A_559 = arith.mulf %get3A_555, %get3A_558 : vector<16xf32>
        %get3A_560 = arith.index_cast %add3A_552 : i32 to index
        %get3A_561 = arith.constant 16 : index
        %get3A_562 = tpu.vector_load %arg8[%get3A_560, %get3A_561] {strides = array<i32>} : memref<160x128xf32, #tpu.memory_space<vmem>>, vector<16xf32>,
        %get3A_563 = arith.index_cast %add3A_552 : i32 to index
        %get3A_564 = arith.constant 16 : index
        %get3A_565 = tpu.vector_load %arg9[%get3A_563, %get3A_564] {strides = array<i32>} : memref<160x128xf32, #tpu.memory_space<vmem>>, vector<16xf32>,
        %mul3A_566 = arith.mulf %get3A_562, %get3A_565 : vector<16xf32>
        %add3A_567 = arith.addf %mul3A_559, %mul3A_566 : vector<16xf32>
        %get3A_568 = arith.index_cast %add3A_552 : i32 to index
        %get3A_569 = arith.constant 32 : index
        %get3A_570 = tpu.vector_load %arg8[%get3A_568, %get3A_569] {strides = array<i32>} : memref<160x128xf32, #tpu.memory_space<vmem>>, vector<16xf32>,
        %get3A_571 = arith.index_cast %add3A_552 : i32 to index
        %get3A_572 = arith.constant 32 : index
        %get3A_573 = tpu.vector_load %arg9[%get3A_571, %get3A_572] {strides = array<i32>} : memref<160x128xf32, #tpu.memory_space<vmem>>, vector<16xf32>,
        %mul3A_574 = arith.mulf %get3A_570, %get3A_573 : vector<16xf32>
        %add3A_575 = arith.addf %add3A_567, %mul3A_574 : vector<16xf32>
        %get3A_576 = arith.index_cast %add3A_552 : i32 to index
        %get3A_577 = arith.constant 48 : index
        %get3A_578 = tpu.vector_load %arg8[%get3A_576, %get3A_577] {strides = array<i32>} : memref<160x128xf32, #tpu.memory_space<vmem>>, vector<16xf32>,
        %get3A_579 = arith.index_cast %add3A_552 : i32 to index
        %get3A_580 = arith.constant 48 : index
        %get3A_581 = tpu.vector_load %arg9[%get3A_579, %get3A_580] {strides = array<i32>} : memref<160x128xf32, #tpu.memory_space<vmem>>, vector<16xf32>,
        %mul3A_582 = arith.mulf %get3A_578, %get3A_581 : vector<16xf32>
        %add3A_583 = arith.addf %add3A_575, %mul3A_582 : vector<16xf32>
        %get3A_584 = arith.index_cast %add3A_552 : i32 to index
        %get3A_585 = arith.constant 64 : index
        %get3A_586 = tpu.vector_load %arg8[%get3A_584, %get3A_585] {strides = array<i32>} : memref<160x128xf32, #tpu.memory_space<vmem>>, vector<16xf32>,
        %get3A_587 = arith.index_cast %add3A_552 : i32 to index
        %get3A_588 = arith.constant 64 : index
        %get3A_589 = tpu.vector_load %arg9[%get3A_587, %get3A_588] {strides = array<i32>} : memref<160x128xf32, #tpu.memory_space<vmem>>, vector<16xf32>,
        %mul3A_590 = arith.mulf %get3A_586, %get3A_589 : vector<16xf32>
        %add3A_591 = arith.addf %add3A_583, %mul3A_590 : vector<16xf32>
        %get3A_592 = arith.index_cast %add3A_552 : i32 to index
        %get3A_593 = arith.constant 80 : index
        %get3A_594 = tpu.vector_load %arg8[%get3A_592, %get3A_593] {strides = array<i32>} : memref<160x128xf32, #tpu.memory_space<vmem>>, vector<16xf32>,
        %get3A_595 = arith.index_cast %add3A_552 : i32 to index
        %get3A_596 = arith.constant 80 : index
        %get3A_597 = tpu.vector_load %arg9[%get3A_595, %get3A_596] {strides = array<i32>} : memref<160x128xf32, #tpu.memory_space<vmem>>, vector<16xf32>,
        %mul3A_598 = arith.mulf %get3A_594, %get3A_597 : vector<16xf32>
        %add3A_599 = arith.addf %add3A_591, %mul3A_598 : vector<16xf32>
        %get3A_600 = arith.index_cast %add3A_552 : i32 to index
        %get3A_601 = arith.constant 96 : index
        %get3A_602 = tpu.vector_load %arg8[%get3A_600, %get3A_601] {strides = array<i32>} : memref<160x128xf32, #tpu.memory_space<vmem>>, vector<16xf32>,
        %get3A_603 = arith.index_cast %add3A_552 : i32 to index
        %get3A_604 = arith.constant 96 : index
        %get3A_605 = tpu.vector_load %arg9[%get3A_603, %get3A_604] {strides = array<i32>} : memref<160x128xf32, #tpu.memory_space<vmem>>, vector<16xf32>,
        %mul3A_606 = arith.mulf %get3A_602, %get3A_605 : vector<16xf32>
        %add3A_607 = arith.addf %add3A_599, %mul3A_606 : vector<16xf32>
        %get3A_608 = arith.index_cast %add3A_552 : i32 to index
        %get3A_609 = arith.constant 112 : index
        %get3A_610 = tpu.vector_load %arg8[%get3A_608, %get3A_609] {strides = array<i32>} : memref<160x128xf32, #tpu.memory_space<vmem>>, vector<16xf32>,
        %get3A_611 = arith.index_cast %add3A_552 : i32 to index
        %get3A_612 = arith.constant 112 : index
        %get3A_613 = tpu.vector_load %arg9[%get3A_611, %get3A_612] {strides = array<i32>} : memref<160x128xf32, #tpu.memory_space<vmem>>, vector<16xf32>,
        %mul3A_614 = arith.mulf %get3A_610, %get3A_613 : vector<16xf32>
        %add3A_615 = arith.addf %add3A_607, %mul3A_614 : vector<16xf32>
        %swap3A_616 = arith.constant 7 : i32
        %swap3A_617 = arith.index_cast %swap3A_616 : i32 to index
        %swap3A_618 = arith.constant 0 : index
        %swap3A_619 = tpu.vector_load %arg11[%swap3A_617, %swap3A_618] {strides = array<i32>} : memref<16x16xf32, #tpu.memory_space<vmem>>, vector<16xf32>,
        tpu.vector_store %arg11[%swap3A_617, %swap3A_618], %add3A_615 {strides = array<i32>} : memref<16x16xf32, #tpu.memory_space<vmem>>, vector<16xf32>,
        %add3A_620 = arith.constant 8 : i32
        %add3A_621 = arith.addi %add3A_69, %add3A_620 : i32
        %get3A_622 = arith.index_cast %add3A_621 : i32 to index
        %get3A_623 = arith.constant 0 : index
        %get3A_624 = tpu.vector_load %arg8[%get3A_622, %get3A_623] {strides = array<i32>} : memref<160x128xf32, #tpu.memory_space<vmem>>, vector<16xf32>,
        %get3A_625 = arith.index_cast %add3A_621 : i32 to index
        %get3A_626 = arith.constant 0 : index
        %get3A_627 = tpu.vector_load %arg9[%get3A_625, %get3A_626] {strides = array<i32>} : memref<160x128xf32, #tpu.memory_space<vmem>>, vector<16xf32>,
        %mul3A_628 = arith.mulf %get3A_624, %get3A_627 : vector<16xf32>
        %get3A_629 = arith.index_cast %add3A_621 : i32 to index
        %get3A_630 = arith.constant 16 : index
        %get3A_631 = tpu.vector_load %arg8[%get3A_629, %get3A_630] {strides = array<i32>} : memref<160x128xf32, #tpu.memory_space<vmem>>, vector<16xf32>,
        %get3A_632 = arith.index_cast %add3A_621 : i32 to index
        %get3A_633 = arith.constant 16 : index
        %get3A_634 = tpu.vector_load %arg9[%get3A_632, %get3A_633] {strides = array<i32>} : memref<160x128xf32, #tpu.memory_space<vmem>>, vector<16xf32>,
        %mul3A_635 = arith.mulf %get3A_631, %get3A_634 : vector<16xf32>
        %add3A_636 = arith.addf %mul3A_628, %mul3A_635 : vector<16xf32>
        %get3A_637 = arith.index_cast %add3A_621 : i32 to index
        %get3A_638 = arith.constant 32 : index
        %get3A_639 = tpu.vector_load %arg8[%get3A_637, %get3A_638] {strides = array<i32>} : memref<160x128xf32, #tpu.memory_space<vmem>>, vector<16xf32>,
        %get3A_640 = arith.index_cast %add3A_621 : i32 to index
        %get3A_641 = arith.constant 32 : index
        %get3A_642 = tpu.vector_load %arg9[%get3A_640, %get3A_641] {strides = array<i32>} : memref<160x128xf32, #tpu.memory_space<vmem>>, vector<16xf32>,
        %mul3A_643 = arith.mulf %get3A_639, %get3A_642 : vector<16xf32>
        %add3A_644 = arith.addf %add3A_636, %mul3A_643 : vector<16xf32>
        %get3A_645 = arith.index_cast %add3A_621 : i32 to index
        %get3A_646 = arith.constant 48 : index
        %get3A_647 = tpu.vector_load %arg8[%get3A_645, %get3A_646] {strides = array<i32>} : memref<160x128xf32, #tpu.memory_space<vmem>>, vector<16xf32>,
        %get3A_648 = arith.index_cast %add3A_621 : i32 to index
        %get3A_649 = arith.constant 48 : index
        %get3A_650 = tpu.vector_load %arg9[%get3A_648, %get3A_649] {strides = array<i32>} : memref<160x128xf32, #tpu.memory_space<vmem>>, vector<16xf32>,
        %mul3A_651 = arith.mulf %get3A_647, %get3A_650 : vector<16xf32>
        %add3A_652 = arith.addf %add3A_644, %mul3A_651 : vector<16xf32>
        %get3A_653 = arith.index_cast %add3A_621 : i32 to index
        %get3A_654 = arith.constant 64 : index
        %get3A_655 = tpu.vector_load %arg8[%get3A_653, %get3A_654] {strides = array<i32>} : memref<160x128xf32, #tpu.memory_space<vmem>>, vector<16xf32>,
        %get3A_656 = arith.index_cast %add3A_621 : i32 to index
        %get3A_657 = arith.constant 64 : index
        %get3A_658 = tpu.vector_load %arg9[%get3A_656, %get3A_657] {strides = array<i32>} : memref<160x128xf32, #tpu.memory_space<vmem>>, vector<16xf32>,
        %mul3A_659 = arith.mulf %get3A_655, %get3A_658 : vector<16xf32>
        %add3A_660 = arith.addf %add3A_652, %mul3A_659 : vector<16xf32>
        %get3A_661 = arith.index_cast %add3A_621 : i32 to index
        %get3A_662 = arith.constant 80 : index
        %get3A_663 = tpu.vector_load %arg8[%get3A_661, %get3A_662] {strides = array<i32>} : memref<160x128xf32, #tpu.memory_space<vmem>>, vector<16xf32>,
        %get3A_664 = arith.index_cast %add3A_621 : i32 to index
        %get3A_665 = arith.constant 80 : index
        %get3A_666 = tpu.vector_load %arg9[%get3A_664, %get3A_665] {strides = array<i32>} : memref<160x128xf32, #tpu.memory_space<vmem>>, vector<16xf32>,
        %mul3A_667 = arith.mulf %get3A_663, %get3A_666 : vector<16xf32>
        %add3A_668 = arith.addf %add3A_660, %mul3A_667 : vector<16xf32>
        %get3A_669 = arith.index_cast %add3A_621 : i32 to index
        %get3A_670 = arith.constant 96 : index
        %get3A_671 = tpu.vector_load %arg8[%get3A_669, %get3A_670] {strides = array<i32>} : memref<160x128xf32, #tpu.memory_space<vmem>>, vector<16xf32>,
        %get3A_672 = arith.index_cast %add3A_621 : i32 to index
        %get3A_673 = arith.constant 96 : index
        %get3A_674 = tpu.vector_load %arg9[%get3A_672, %get3A_673] {strides = array<i32>} : memref<160x128xf32, #tpu.memory_space<vmem>>, vector<16xf32>,
        %mul3A_675 = arith.mulf %get3A_671, %get3A_674 : vector<16xf32>
        %add3A_676 = arith.addf %add3A_668, %mul3A_675 : vector<16xf32>
        %get3A_677 = arith.index_cast %add3A_621 : i32 to index
        %get3A_678 = arith.constant 112 : index
        %get3A_679 = tpu.vector_load %arg8[%get3A_677, %get3A_678] {strides = array<i32>} : memref<160x128xf32, #tpu.memory_space<vmem>>, vector<16xf32>,
        %get3A_680 = arith.index_cast %add3A_621 : i32 to index
        %get3A_681 = arith.constant 112 : index
        %get3A_682 = tpu.vector_load %arg9[%get3A_680, %get3A_681] {strides = array<i32>} : memref<160x128xf32, #tpu.memory_space<vmem>>, vector<16xf32>,
        %mul3A_683 = arith.mulf %get3A_679, %get3A_682 : vector<16xf32>
        %add3A_684 = arith.addf %add3A_676, %mul3A_683 : vector<16xf32>
        %swap3A_685 = arith.constant 8 : i32
        %swap3A_686 = arith.index_cast %swap3A_685 : i32 to index
        %swap3A_687 = arith.constant 0 : index
        %swap3A_688 = tpu.vector_load %arg11[%swap3A_686, %swap3A_687] {strides = array<i32>} : memref<16x16xf32, #tpu.memory_space<vmem>>, vector<16xf32>,
        tpu.vector_store %arg11[%swap3A_686, %swap3A_687], %add3A_684 {strides = array<i32>} : memref<16x16xf32, #tpu.memory_space<vmem>>, vector<16xf32>,
        %add3A_689 = arith.constant 9 : i32
        %add3A_690 = arith.addi %add3A_69, %add3A_689 : i32
        %get3A_691 = arith.index_cast %add3A_690 : i32 to index
        %get3A_692 = arith.constant 0 : index
        %get3A_693 = tpu.vector_load %arg8[%get3A_691, %get3A_692] {strides = array<i32>} : memref<160x128xf32, #tpu.memory_space<vmem>>, vector<16xf32>,
        %get3A_694 = arith.index_cast %add3A_690 : i32 to index
        %get3A_695 = arith.constant 0 : index
        %get3A_696 = tpu.vector_load %arg9[%get3A_694, %get3A_695] {strides = array<i32>} : memref<160x128xf32, #tpu.memory_space<vmem>>, vector<16xf32>,
        %mul3A_697 = arith.mulf %get3A_693, %get3A_696 : vector<16xf32>
        %get3A_698 = arith.index_cast %add3A_690 : i32 to index
        %get3A_699 = arith.constant 16 : index
        %get3A_700 = tpu.vector_load %arg8[%get3A_698, %get3A_699] {strides = array<i32>} : memref<160x128xf32, #tpu.memory_space<vmem>>, vector<16xf32>,
        %get3A_701 = arith.index_cast %add3A_690 : i32 to index
        %get3A_702 = arith.constant 16 : index
        %get3A_703 = tpu.vector_load %arg9[%get3A_701, %get3A_702] {strides = array<i32>} : memref<160x128xf32, #tpu.memory_space<vmem>>, vector<16xf32>,
        %mul3A_704 = arith.mulf %get3A_700, %get3A_703 : vector<16xf32>
        %add3A_705 = arith.addf %mul3A_697, %mul3A_704 : vector<16xf32>
        %get3A_706 = arith.index_cast %add3A_690 : i32 to index
        %get3A_707 = arith.constant 32 : index
        %get3A_708 = tpu.vector_load %arg8[%get3A_706, %get3A_707] {strides = array<i32>} : memref<160x128xf32, #tpu.memory_space<vmem>>, vector<16xf32>,
        %get3A_709 = arith.index_cast %add3A_690 : i32 to index
        %get3A_710 = arith.constant 32 : index
        %get3A_711 = tpu.vector_load %arg9[%get3A_709, %get3A_710] {strides = array<i32>} : memref<160x128xf32, #tpu.memory_space<vmem>>, vector<16xf32>,
        %mul3A_712 = arith.mulf %get3A_708, %get3A_711 : vector<16xf32>
        %add3A_713 = arith.addf %add3A_705, %mul3A_712 : vector<16xf32>
        %get3A_714 = arith.index_cast %add3A_690 : i32 to index
        %get3A_715 = arith.constant 48 : index
        %get3A_716 = tpu.vector_load %arg8[%get3A_714, %get3A_715] {strides = array<i32>} : memref<160x128xf32, #tpu.memory_space<vmem>>, vector<16xf32>,
        %get3A_717 = arith.index_cast %add3A_690 : i32 to index
        %get3A_718 = arith.constant 48 : index
        %get3A_719 = tpu.vector_load %arg9[%get3A_717, %get3A_718] {strides = array<i32>} : memref<160x128xf32, #tpu.memory_space<vmem>>, vector<16xf32>,
        %mul3A_720 = arith.mulf %get3A_716, %get3A_719 : vector<16xf32>
        %add3A_721 = arith.addf %add3A_713, %mul3A_720 : vector<16xf32>
        %get3A_722 = arith.index_cast %add3A_690 : i32 to index
        %get3A_723 = arith.constant 64 : index
        %get3A_724 = tpu.vector_load %arg8[%get3A_722, %get3A_723] {strides = array<i32>} : memref<160x128xf32, #tpu.memory_space<vmem>>, vector<16xf32>,
        %get3A_725 = arith.index_cast %add3A_690 : i32 to index
        %get3A_726 = arith.constant 64 : index
        %get3A_727 = tpu.vector_load %arg9[%get3A_725, %get3A_726] {strides = array<i32>} : memref<160x128xf32, #tpu.memory_space<vmem>>, vector<16xf32>,
        %mul3A_728 = arith.mulf %get3A_724, %get3A_727 : vector<16xf32>
        %add3A_729 = arith.addf %add3A_721, %mul3A_728 : vector<16xf32>
        %get3A_730 = arith.index_cast %add3A_690 : i32 to index
        %get3A_731 = arith.constant 80 : index
        %get3A_732 = tpu.vector_load %arg8[%get3A_730, %get3A_731] {strides = array<i32>} : memref<160x128xf32, #tpu.memory_space<vmem>>, vector<16xf32>,
        %get3A_733 = arith.index_cast %add3A_690 : i32 to index
        %get3A_734 = arith.constant 80 : index
        %get3A_735 = tpu.vector_load %arg9[%get3A_733, %get3A_734] {strides = array<i32>} : memref<160x128xf32, #tpu.memory_space<vmem>>, vector<16xf32>,
        %mul3A_736 = arith.mulf %get3A_732, %get3A_735 : vector<16xf32>
        %add3A_737 = arith.addf %add3A_729, %mul3A_736 : vector<16xf32>
        %get3A_738 = arith.index_cast %add3A_690 : i32 to index
        %get3A_739 = arith.constant 96 : index
        %get3A_740 = tpu.vector_load %arg8[%get3A_738, %get3A_739] {strides = array<i32>} : memref<160x128xf32, #tpu.memory_space<vmem>>, vector<16xf32>,
        %get3A_741 = arith.index_cast %add3A_690 : i32 to index
        %get3A_742 = arith.constant 96 : index
        %get3A_743 = tpu.vector_load %arg9[%get3A_741, %get3A_742] {strides = array<i32>} : memref<160x128xf32, #tpu.memory_space<vmem>>, vector<16xf32>,
        %mul3A_744 = arith.mulf %get3A_740, %get3A_743 : vector<16xf32>
        %add3A_745 = arith.addf %add3A_737, %mul3A_744 : vector<16xf32>
        %get3A_746 = arith.index_cast %add3A_690 : i32 to index
        %get3A_747 = arith.constant 112 : index
        %get3A_748 = tpu.vector_load %arg8[%get3A_746, %get3A_747] {strides = array<i32>} : memref<160x128xf32, #tpu.memory_space<vmem>>, vector<16xf32>,
        %get3A_749 = arith.index_cast %add3A_690 : i32 to index
        %get3A_750 = arith.constant 112 : index
        %get3A_751 = tpu.vector_load %arg9[%get3A_749, %get3A_750] {strides = array<i32>} : memref<160x128xf32, #tpu.memory_space<vmem>>, vector<16xf32>,
        %mul3A_752 = arith.mulf %get3A_748, %get3A_751 : vector<16xf32>
        %add3A_753 = arith.addf %add3A_745, %mul3A_752 : vector<16xf32>
        %swap3A_754 = arith.constant 9 : i32
        %swap3A_755 = arith.index_cast %swap3A_754 : i32 to index
        %swap3A_756 = arith.constant 0 : index
        %swap3A_757 = tpu.vector_load %arg11[%swap3A_755, %swap3A_756] {strides = array<i32>} : memref<16x16xf32, #tpu.memory_space<vmem>>, vector<16xf32>,
        tpu.vector_store %arg11[%swap3A_755, %swap3A_756], %add3A_753 {strides = array<i32>} : memref<16x16xf32, #tpu.memory_space<vmem>>, vector<16xf32>,
        %add3A_758 = arith.constant 10 : i32
        %add3A_759 = arith.addi %add3A_69, %add3A_758 : i32
        %get3A_760 = arith.index_cast %add3A_759 : i32 to index
        %get3A_761 = arith.constant 0 : index
        %get3A_762 = tpu.vector_load %arg8[%get3A_760, %get3A_761] {strides = array<i32>} : memref<160x128xf32, #tpu.memory_space<vmem>>, vector<16xf32>,
        %get3A_763 = arith.index_cast %add3A_759 : i32 to index
        %get3A_764 = arith.constant 0 : index
        %get3A_765 = tpu.vector_load %arg9[%get3A_763, %get3A_764] {strides = array<i32>} : memref<160x128xf32, #tpu.memory_space<vmem>>, vector<16xf32>,
        %mul3A_766 = arith.mulf %get3A_762, %get3A_765 : vector<16xf32>
        %get3A_767 = arith.index_cast %add3A_759 : i32 to index
        %get3A_768 = arith.constant 16 : index
        %get3A_769 = tpu.vector_load %arg8[%get3A_767, %get3A_768] {strides = array<i32>} : memref<160x128xf32, #tpu.memory_space<vmem>>, vector<16xf32>,
        %get3A_770 = arith.index_cast %add3A_759 : i32 to index
        %get3A_771 = arith.constant 16 : index
        %get3A_772 = tpu.vector_load %arg9[%get3A_770, %get3A_771] {strides = array<i32>} : memref<160x128xf32, #tpu.memory_space<vmem>>, vector<16xf32>,
        %mul3A_773 = arith.mulf %get3A_769, %get3A_772 : vector<16xf32>
        %add3A_774 = arith.addf %mul3A_766, %mul3A_773 : vector<16xf32>
        %get3A_775 = arith.index_cast %add3A_759 : i32 to index
        %get3A_776 = arith.constant 32 : index
        %get3A_777 = tpu.vector_load %arg8[%get3A_775, %get3A_776] {strides = array<i32>} : memref<160x128xf32, #tpu.memory_space<vmem>>, vector<16xf32>,
        %get3A_778 = arith.index_cast %add3A_759 : i32 to index
        %get3A_779 = arith.constant 32 : index
        %get3A_780 = tpu.vector_load %arg9[%get3A_778, %get3A_779] {strides = array<i32>} : memref<160x128xf32, #tpu.memory_space<vmem>>, vector<16xf32>,
        %mul3A_781 = arith.mulf %get3A_777, %get3A_780 : vector<16xf32>
        %add3A_782 = arith.addf %add3A_774, %mul3A_781 : vector<16xf32>
        %get3A_783 = arith.index_cast %add3A_759 : i32 to index
        %get3A_784 = arith.constant 48 : index
        %get3A_785 = tpu.vector_load %arg8[%get3A_783, %get3A_784] {strides = array<i32>} : memref<160x128xf32, #tpu.memory_space<vmem>>, vector<16xf32>,
        %get3A_786 = arith.index_cast %add3A_759 : i32 to index
        %get3A_787 = arith.constant 48 : index
        %get3A_788 = tpu.vector_load %arg9[%get3A_786, %get3A_787] {strides = array<i32>} : memref<160x128xf32, #tpu.memory_space<vmem>>, vector<16xf32>,
        %mul3A_789 = arith.mulf %get3A_785, %get3A_788 : vector<16xf32>
        %add3A_790 = arith.addf %add3A_782, %mul3A_789 : vector<16xf32>
        %get3A_791 = arith.index_cast %add3A_759 : i32 to index
        %get3A_792 = arith.constant 64 : index
        %get3A_793 = tpu.vector_load %arg8[%get3A_791, %get3A_792] {strides = array<i32>} : memref<160x128xf32, #tpu.memory_space<vmem>>, vector<16xf32>,
        %get3A_794 = arith.index_cast %add3A_759 : i32 to index
        %get3A_795 = arith.constant 64 : index
        %get3A_796 = tpu.vector_load %arg9[%get3A_794, %get3A_795] {strides = array<i32>} : memref<160x128xf32, #tpu.memory_space<vmem>>, vector<16xf32>,
        %mul3A_797 = arith.mulf %get3A_793, %get3A_796 : vector<16xf32>
        %add3A_798 = arith.addf %add3A_790, %mul3A_797 : vector<16xf32>
        %get3A_799 = arith.index_cast %add3A_759 : i32 to index
        %get3A_800 = arith.constant 80 : index
        %get3A_801 = tpu.vector_load %arg8[%get3A_799, %get3A_800] {strides = array<i32>} : memref<160x128xf32, #tpu.memory_space<vmem>>, vector<16xf32>,
        %get3A_802 = arith.index_cast %add3A_759 : i32 to index
        %get3A_803 = arith.constant 80 : index
        %get3A_804 = tpu.vector_load %arg9[%get3A_802, %get3A_803] {strides = array<i32>} : memref<160x128xf32, #tpu.memory_space<vmem>>, vector<16xf32>,
        %mul3A_805 = arith.mulf %get3A_801, %get3A_804 : vector<16xf32>
        %add3A_806 = arith.addf %add3A_798, %mul3A_805 : vector<16xf32>
        %get3A_807 = arith.index_cast %add3A_759 : i32 to index
        %get3A_808 = arith.constant 96 : index
        %get3A_809 = tpu.vector_load %arg8[%get3A_807, %get3A_808] {strides = array<i32>} : memref<160x128xf32, #tpu.memory_space<vmem>>, vector<16xf32>,
        %get3A_810 = arith.index_cast %add3A_759 : i32 to index
        %get3A_811 = arith.constant 96 : index
        %get3A_812 = tpu.vector_load %arg9[%get3A_810, %get3A_811] {strides = array<i32>} : memref<160x128xf32, #tpu.memory_space<vmem>>, vector<16xf32>,
        %mul3A_813 = arith.mulf %get3A_809, %get3A_812 : vector<16xf32>
        %add3A_814 = arith.addf %add3A_806, %mul3A_813 : vector<16xf32>
        %get3A_815 = arith.index_cast %add3A_759 : i32 to index
        %get3A_816 = arith.constant 112 : index
        %get3A_817 = tpu.vector_load %arg8[%get3A_815, %get3A_816] {strides = array<i32>} : memref<160x128xf32, #tpu.memory_space<vmem>>, vector<16xf32>,
        %get3A_818 = arith.index_cast %add3A_759 : i32 to index
        %get3A_819 = arith.constant 112 : index
        %get3A_820 = tpu.vector_load %arg9[%get3A_818, %get3A_819] {strides = array<i32>} : memref<160x128xf32, #tpu.memory_space<vmem>>, vector<16xf32>,
        %mul3A_821 = arith.mulf %get3A_817, %get3A_820 : vector<16xf32>
        %add3A_822 = arith.addf %add3A_814, %mul3A_821 : vector<16xf32>
        %swap3A_823 = arith.constant 10 : i32
        %swap3A_824 = arith.index_cast %swap3A_823 : i32 to index
        %swap3A_825 = arith.constant 0 : index
        %swap3A_826 = tpu.vector_load %arg11[%swap3A_824, %swap3A_825] {strides = array<i32>} : memref<16x16xf32, #tpu.memory_space<vmem>>, vector<16xf32>,
        tpu.vector_store %arg11[%swap3A_824, %swap3A_825], %add3A_822 {strides = array<i32>} : memref<16x16xf32, #tpu.memory_space<vmem>>, vector<16xf32>,
        %add3A_827 = arith.constant 11 : i32
        %add3A_828 = arith.addi %add3A_69, %add3A_827 : i32
        %get3A_829 = arith.index_cast %add3A_828 : i32 to index
        %get3A_830 = arith.constant 0 : index
        %get3A_831 = tpu.vector_load %arg8[%get3A_829, %get3A_830] {strides = array<i32>} : memref<160x128xf32, #tpu.memory_space<vmem>>, vector<16xf32>,
        %get3A_832 = arith.index_cast %add3A_828 : i32 to index
        %get3A_833 = arith.constant 0 : index
        %get3A_834 = tpu.vector_load %arg9[%get3A_832, %get3A_833] {strides = array<i32>} : memref<160x128xf32, #tpu.memory_space<vmem>>, vector<16xf32>,
        %mul3A_835 = arith.mulf %get3A_831, %get3A_834 : vector<16xf32>
        %get3A_836 = arith.index_cast %add3A_828 : i32 to index
        %get3A_837 = arith.constant 16 : index
        %get3A_838 = tpu.vector_load %arg8[%get3A_836, %get3A_837] {strides = array<i32>} : memref<160x128xf32, #tpu.memory_space<vmem>>, vector<16xf32>,
        %get3A_839 = arith.index_cast %add3A_828 : i32 to index
        %get3A_840 = arith.constant 16 : index
        %get3A_841 = tpu.vector_load %arg9[%get3A_839, %get3A_840] {strides = array<i32>} : memref<160x128xf32, #tpu.memory_space<vmem>>, vector<16xf32>,
        %mul3A_842 = arith.mulf %get3A_838, %get3A_841 : vector<16xf32>
        %add3A_843 = arith.addf %mul3A_835, %mul3A_842 : vector<16xf32>
        %get3A_844 = arith.index_cast %add3A_828 : i32 to index
        %get3A_845 = arith.constant 32 : index
        %get3A_846 = tpu.vector_load %arg8[%get3A_844, %get3A_845] {strides = array<i32>} : memref<160x128xf32, #tpu.memory_space<vmem>>, vector<16xf32>,
        %get3A_847 = arith.index_cast %add3A_828 : i32 to index
        %get3A_848 = arith.constant 32 : index
        %get3A_849 = tpu.vector_load %arg9[%get3A_847, %get3A_848] {strides = array<i32>} : memref<160x128xf32, #tpu.memory_space<vmem>>, vector<16xf32>,
        %mul3A_850 = arith.mulf %get3A_846, %get3A_849 : vector<16xf32>
        %add3A_851 = arith.addf %add3A_843, %mul3A_850 : vector<16xf32>
        %get3A_852 = arith.index_cast %add3A_828 : i32 to index
        %get3A_853 = arith.constant 48 : index
        %get3A_854 = tpu.vector_load %arg8[%get3A_852, %get3A_853] {strides = array<i32>} : memref<160x128xf32, #tpu.memory_space<vmem>>, vector<16xf32>,
        %get3A_855 = arith.index_cast %add3A_828 : i32 to index
        %get3A_856 = arith.constant 48 : index
        %get3A_857 = tpu.vector_load %arg9[%get3A_855, %get3A_856] {strides = array<i32>} : memref<160x128xf32, #tpu.memory_space<vmem>>, vector<16xf32>,
        %mul3A_858 = arith.mulf %get3A_854, %get3A_857 : vector<16xf32>
        %add3A_859 = arith.addf %add3A_851, %mul3A_858 : vector<16xf32>
        %get3A_860 = arith.index_cast %add3A_828 : i32 to index
        %get3A_861 = arith.constant 64 : index
        %get3A_862 = tpu.vector_load %arg8[%get3A_860, %get3A_861] {strides = array<i32>} : memref<160x128xf32, #tpu.memory_space<vmem>>, vector<16xf32>,
        %get3A_863 = arith.index_cast %add3A_828 : i32 to index
        %get3A_864 = arith.constant 64 : index
        %get3A_865 = tpu.vector_load %arg9[%get3A_863, %get3A_864] {strides = array<i32>} : memref<160x128xf32, #tpu.memory_space<vmem>>, vector<16xf32>,
        %mul3A_866 = arith.mulf %get3A_862, %get3A_865 : vector<16xf32>
        %add3A_867 = arith.addf %add3A_859, %mul3A_866 : vector<16xf32>
        %get3A_868 = arith.index_cast %add3A_828 : i32 to index
        %get3A_869 = arith.constant 80 : index
        %get3A_870 = tpu.vector_load %arg8[%get3A_868, %get3A_869] {strides = array<i32>} : memref<160x128xf32, #tpu.memory_space<vmem>>, vector<16xf32>,
        %get3A_871 = arith.index_cast %add3A_828 : i32 to index
        %get3A_872 = arith.constant 80 : index
        %get3A_873 = tpu.vector_load %arg9[%get3A_871, %get3A_872] {strides = array<i32>} : memref<160x128xf32, #tpu.memory_space<vmem>>, vector<16xf32>,
        %mul3A_874 = arith.mulf %get3A_870, %get3A_873 : vector<16xf32>
        %add3A_875 = arith.addf %add3A_867, %mul3A_874 : vector<16xf32>
        %get3A_876 = arith.index_cast %add3A_828 : i32 to index
        %get3A_877 = arith.constant 96 : index
        %get3A_878 = tpu.vector_load %arg8[%get3A_876, %get3A_877] {strides = array<i32>} : memref<160x128xf32, #tpu.memory_space<vmem>>, vector<16xf32>,
        %get3A_879 = arith.index_cast %add3A_828 : i32 to index
        %get3A_880 = arith.constant 96 : index
        %get3A_881 = tpu.vector_load %arg9[%get3A_879, %get3A_880] {strides = array<i32>} : memref<160x128xf32, #tpu.memory_space<vmem>>, vector<16xf32>,
        %mul3A_882 = arith.mulf %get3A_878, %get3A_881 : vector<16xf32>
        %add3A_883 = arith.addf %add3A_875, %mul3A_882 : vector<16xf32>
        %get3A_884 = arith.index_cast %add3A_828 : i32 to index
        %get3A_885 = arith.constant 112 : index
        %get3A_886 = tpu.vector_load %arg8[%get3A_884, %get3A_885] {strides = array<i32>} : memref<160x128xf32, #tpu.memory_space<vmem>>, vector<16xf32>,
        %get3A_887 = arith.index_cast %add3A_828 : i32 to index
        %get3A_888 = arith.constant 112 : index
        %get3A_889 = tpu.vector_load %arg9[%get3A_887, %get3A_888] {strides = array<i32>} : memref<160x128xf32, #tpu.memory_space<vmem>>, vector<16xf32>,
        %mul3A_890 = arith.mulf %get3A_886, %get3A_889 : vector<16xf32>
        %add3A_891 = arith.addf %add3A_883, %mul3A_890 : vector<16xf32>
        %swap3A_892 = arith.constant 11 : i32
        %swap3A_893 = arith.index_cast %swap3A_892 : i32 to index
        %swap3A_894 = arith.constant 0 : index
        %swap3A_895 = tpu.vector_load %arg11[%swap3A_893, %swap3A_894] {strides = array<i32>} : memref<16x16xf32, #tpu.memory_space<vmem>>, vector<16xf32>,
        tpu.vector_store %arg11[%swap3A_893, %swap3A_894], %add3A_891 {strides = array<i32>} : memref<16x16xf32, #tpu.memory_space<vmem>>, vector<16xf32>,
        %add3A_896 = arith.constant 12 : i32
        %add3A_897 = arith.addi %add3A_69, %add3A_896 : i32
        %get3A_898 = arith.index_cast %add3A_897 : i32 to index
        %get3A_899 = arith.constant 0 : index
        %get3A_900 = tpu.vector_load %arg8[%get3A_898, %get3A_899] {strides = array<i32>} : memref<160x128xf32, #tpu.memory_space<vmem>>, vector<16xf32>,
        %get3A_901 = arith.index_cast %add3A_897 : i32 to index
        %get3A_902 = arith.constant 0 : index
        %get3A_903 = tpu.vector_load %arg9[%get3A_901, %get3A_902] {strides = array<i32>} : memref<160x128xf32, #tpu.memory_space<vmem>>, vector<16xf32>,
        %mul3A_904 = arith.mulf %get3A_900, %get3A_903 : vector<16xf32>
        %get3A_905 = arith.index_cast %add3A_897 : i32 to index
        %get3A_906 = arith.constant 16 : index
        %get3A_907 = tpu.vector_load %arg8[%get3A_905, %get3A_906] {strides = array<i32>} : memref<160x128xf32, #tpu.memory_space<vmem>>, vector<16xf32>,
        %get3A_908 = arith.index_cast %add3A_897 : i32 to index
        %get3A_909 = arith.constant 16 : index
        %get3A_910 = tpu.vector_load %arg9[%get3A_908, %get3A_909] {strides = array<i32>} : memref<160x128xf32, #tpu.memory_space<vmem>>, vector<16xf32>,
        %mul3A_911 = arith.mulf %get3A_907, %get3A_910 : vector<16xf32>
        %add3A_912 = arith.addf %mul3A_904, %mul3A_911 : vector<16xf32>
        %get3A_913 = arith.index_cast %add3A_897 : i32 to index
        %get3A_914 = arith.constant 32 : index
        %get3A_915 = tpu.vector_load %arg8[%get3A_913, %get3A_914] {strides = array<i32>} : memref<160x128xf32, #tpu.memory_space<vmem>>, vector<16xf32>,
        %get3A_916 = arith.index_cast %add3A_897 : i32 to index
        %get3A_917 = arith.constant 32 : index
        %get3A_918 = tpu.vector_load %arg9[%get3A_916, %get3A_917] {strides = array<i32>} : memref<160x128xf32, #tpu.memory_space<vmem>>, vector<16xf32>,
        %mul3A_919 = arith.mulf %get3A_915, %get3A_918 : vector<16xf32>
        %add3A_920 = arith.addf %add3A_912, %mul3A_919 : vector<16xf32>
        %get3A_921 = arith.index_cast %add3A_897 : i32 to index
        %get3A_922 = arith.constant 48 : index
        %get3A_923 = tpu.vector_load %arg8[%get3A_921, %get3A_922] {strides = array<i32>} : memref<160x128xf32, #tpu.memory_space<vmem>>, vector<16xf32>,
        %get3A_924 = arith.index_cast %add3A_897 : i32 to index
        %get3A_925 = arith.constant 48 : index
        %get3A_926 = tpu.vector_load %arg9[%get3A_924, %get3A_925] {strides = array<i32>} : memref<160x128xf32, #tpu.memory_space<vmem>>, vector<16xf32>,
        %mul3A_927 = arith.mulf %get3A_923, %get3A_926 : vector<16xf32>
        %add3A_928 = arith.addf %add3A_920, %mul3A_927 : vector<16xf32>
        %get3A_929 = arith.index_cast %add3A_897 : i32 to index
        %get3A_930 = arith.constant 64 : index
        %get3A_931 = tpu.vector_load %arg8[%get3A_929, %get3A_930] {strides = array<i32>} : memref<160x128xf32, #tpu.memory_space<vmem>>, vector<16xf32>,
        %get3A_932 = arith.index_cast %add3A_897 : i32 to index
        %get3A_933 = arith.constant 64 : index
        %get3A_934 = tpu.vector_load %arg9[%get3A_932, %get3A_933] {strides = array<i32>} : memref<160x128xf32, #tpu.memory_space<vmem>>, vector<16xf32>,
        %mul3A_935 = arith.mulf %get3A_931, %get3A_934 : vector<16xf32>
        %add3A_936 = arith.addf %add3A_928, %mul3A_935 : vector<16xf32>
        %get3A_937 = arith.index_cast %add3A_897 : i32 to index
        %get3A_938 = arith.constant 80 : index
        %get3A_939 = tpu.vector_load %arg8[%get3A_937, %get3A_938] {strides = array<i32>} : memref<160x128xf32, #tpu.memory_space<vmem>>, vector<16xf32>,
        %get3A_940 = arith.index_cast %add3A_897 : i32 to index
        %get3A_941 = arith.constant 80 : index
        %get3A_942 = tpu.vector_load %arg9[%get3A_940, %get3A_941] {strides = array<i32>} : memref<160x128xf32, #tpu.memory_space<vmem>>, vector<16xf32>,
        %mul3A_943 = arith.mulf %get3A_939, %get3A_942 : vector<16xf32>
        %add3A_944 = arith.addf %add3A_936, %mul3A_943 : vector<16xf32>
        %get3A_945 = arith.index_cast %add3A_897 : i32 to index
        %get3A_946 = arith.constant 96 : index
        %get3A_947 = tpu.vector_load %arg8[%get3A_945, %get3A_946] {strides = array<i32>} : memref<160x128xf32, #tpu.memory_space<vmem>>, vector<16xf32>,
        %get3A_948 = arith.index_cast %add3A_897 : i32 to index
        %get3A_949 = arith.constant 96 : index
        %get3A_950 = tpu.vector_load %arg9[%get3A_948, %get3A_949] {strides = array<i32>} : memref<160x128xf32, #tpu.memory_space<vmem>>, vector<16xf32>,
        %mul3A_951 = arith.mulf %get3A_947, %get3A_950 : vector<16xf32>
        %add3A_952 = arith.addf %add3A_944, %mul3A_951 : vector<16xf32>
        %get3A_953 = arith.index_cast %add3A_897 : i32 to index
        %get3A_954 = arith.constant 112 : index
        %get3A_955 = tpu.vector_load %arg8[%get3A_953, %get3A_954] {strides = array<i32>} : memref<160x128xf32, #tpu.memory_space<vmem>>, vector<16xf32>,
        %get3A_956 = arith.index_cast %add3A_897 : i32 to index
        %get3A_957 = arith.constant 112 : index
        %get3A_958 = tpu.vector_load %arg9[%get3A_956, %get3A_957] {strides = array<i32>} : memref<160x128xf32, #tpu.memory_space<vmem>>, vector<16xf32>,
        %mul3A_959 = arith.mulf %get3A_955, %get3A_958 : vector<16xf32>
        %add3A_960 = arith.addf %add3A_952, %mul3A_959 : vector<16xf32>
        %swap3A_961 = arith.constant 12 : i32
        %swap3A_962 = arith.index_cast %swap3A_961 : i32 to index
        %swap3A_963 = arith.constant 0 : index
        %swap3A_964 = tpu.vector_load %arg11[%swap3A_962, %swap3A_963] {strides = array<i32>} : memref<16x16xf32, #tpu.memory_space<vmem>>, vector<16xf32>,
        tpu.vector_store %arg11[%swap3A_962, %swap3A_963], %add3A_960 {strides = array<i32>} : memref<16x16xf32, #tpu.memory_space<vmem>>, vector<16xf32>,
        %add3A_965 = arith.constant 13 : i32
        %add3A_966 = arith.addi %add3A_69, %add3A_965 : i32
        %get3A_967 = arith.index_cast %add3A_966 : i32 to index
        %get3A_968 = arith.constant 0 : index
        %get3A_969 = tpu.vector_load %arg8[%get3A_967, %get3A_968] {strides = array<i32>} : memref<160x128xf32, #tpu.memory_space<vmem>>, vector<16xf32>,
        %get3A_970 = arith.index_cast %add3A_966 : i32 to index
        %get3A_971 = arith.constant 0 : index
        %get3A_972 = tpu.vector_load %arg9[%get3A_970, %get3A_971] {strides = array<i32>} : memref<160x128xf32, #tpu.memory_space<vmem>>, vector<16xf32>,
        %mul3A_973 = arith.mulf %get3A_969, %get3A_972 : vector<16xf32>
        %get3A_974 = arith.index_cast %add3A_966 : i32 to index
        %get3A_975 = arith.constant 16 : index
        %get3A_976 = tpu.vector_load %arg8[%get3A_974, %get3A_975] {strides = array<i32>} : memref<160x128xf32, #tpu.memory_space<vmem>>, vector<16xf32>,
        %get3A_977 = arith.index_cast %add3A_966 : i32 to index
        %get3A_978 = arith.constant 16 : index
        %get3A_979 = tpu.vector_load %arg9[%get3A_977, %get3A_978] {strides = array<i32>} : memref<160x128xf32, #tpu.memory_space<vmem>>, vector<16xf32>,
        %mul3A_980 = arith.mulf %get3A_976, %get3A_979 : vector<16xf32>
        %add3A_981 = arith.addf %mul3A_973, %mul3A_980 : vector<16xf32>
        %get3A_982 = arith.index_cast %add3A_966 : i32 to index
        %get3A_983 = arith.constant 32 : index
        %get3A_984 = tpu.vector_load %arg8[%get3A_982, %get3A_983] {strides = array<i32>} : memref<160x128xf32, #tpu.memory_space<vmem>>, vector<16xf32>,
        %get3A_985 = arith.index_cast %add3A_966 : i32 to index
        %get3A_986 = arith.constant 32 : index
        %get3A_987 = tpu.vector_load %arg9[%get3A_985, %get3A_986] {strides = array<i32>} : memref<160x128xf32, #tpu.memory_space<vmem>>, vector<16xf32>,
        %mul3A_988 = arith.mulf %get3A_984, %get3A_987 : vector<16xf32>
        %add3A_989 = arith.addf %add3A_981, %mul3A_988 : vector<16xf32>
        %get3A_990 = arith.index_cast %add3A_966 : i32 to index
        %get3A_991 = arith.constant 48 : index
        %get3A_992 = tpu.vector_load %arg8[%get3A_990, %get3A_991] {strides = array<i32>} : memref<160x128xf32, #tpu.memory_space<vmem>>, vector<16xf32>,
        %get3A_993 = arith.index_cast %add3A_966 : i32 to index
        %get3A_994 = arith.constant 48 : index
        %get3A_995 = tpu.vector_load %arg9[%get3A_993, %get3A_994] {strides = array<i32>} : memref<160x128xf32, #tpu.memory_space<vmem>>, vector<16xf32>,
        %mul3A_996 = arith.mulf %get3A_992, %get3A_995 : vector<16xf32>
        %add3A_997 = arith.addf %add3A_989, %mul3A_996 : vector<16xf32>
        %get3A_998 = arith.index_cast %add3A_966 : i32 to index
        %get3A_999 = arith.constant 64 : index
        %get3A_1000 = tpu.vector_load %arg8[%get3A_998, %get3A_999] {strides = array<i32>} : memref<160x128xf32, #tpu.memory_space<vmem>>, vector<16xf32>,
        %get3A_1001 = arith.index_cast %add3A_966 : i32 to index
        %get3A_1002 = arith.constant 64 : index
        %get3A_1003 = tpu.vector_load %arg9[%get3A_1001, %get3A_1002] {strides = array<i32>} : memref<160x128xf32, #tpu.memory_space<vmem>>, vector<16xf32>,
        %mul3A_1004 = arith.mulf %get3A_1000, %get3A_1003 : vector<16xf32>
        %add3A_1005 = arith.addf %add3A_997, %mul3A_1004 : vector<16xf32>
        %get3A_1006 = arith.index_cast %add3A_966 : i32 to index
        %get3A_1007 = arith.constant 80 : index
        %get3A_1008 = tpu.vector_load %arg8[%get3A_1006, %get3A_1007] {strides = array<i32>} : memref<160x128xf32, #tpu.memory_space<vmem>>, vector<16xf32>,
        %get3A_1009 = arith.index_cast %add3A_966 : i32 to index
        %get3A_1010 = arith.constant 80 : index
        %get3A_1011 = tpu.vector_load %arg9[%get3A_1009, %get3A_1010] {strides = array<i32>} : memref<160x128xf32, #tpu.memory_space<vmem>>, vector<16xf32>,
        %mul3A_1012 = arith.mulf %get3A_1008, %get3A_1011 : vector<16xf32>
        %add3A_1013 = arith.addf %add3A_1005, %mul3A_1012 : vector<16xf32>
        %get3A_1014 = arith.index_cast %add3A_966 : i32 to index
        %get3A_1015 = arith.constant 96 : index
        %get3A_1016 = tpu.vector_load %arg8[%get3A_1014, %get3A_1015] {strides = array<i32>} : memref<160x128xf32, #tpu.memory_space<vmem>>, vector<16xf32>,
        %get3A_1017 = arith.index_cast %add3A_966 : i32 to index
        %get3A_1018 = arith.constant 96 : index
        %get3A_1019 = tpu.vector_load %arg9[%get3A_1017, %get3A_1018] {strides = array<i32>} : memref<160x128xf32, #tpu.memory_space<vmem>>, vector<16xf32>,
        %mul3A_1020 = arith.mulf %get3A_1016, %get3A_1019 : vector<16xf32>
        %add3A_1021 = arith.addf %add3A_1013, %mul3A_1020 : vector<16xf32>
        %get3A_1022 = arith.index_cast %add3A_966 : i32 to index
        %get3A_1023 = arith.constant 112 : index
        %get3A_1024 = tpu.vector_load %arg8[%get3A_1022, %get3A_1023] {strides = array<i32>} : memref<160x128xf32, #tpu.memory_space<vmem>>, vector<16xf32>,
        %get3A_1025 = arith.index_cast %add3A_966 : i32 to index
        %get3A_1026 = arith.constant 112 : index
        %get3A_1027 = tpu.vector_load %arg9[%get3A_1025, %get3A_1026] {strides = array<i32>} : memref<160x128xf32, #tpu.memory_space<vmem>>, vector<16xf32>,
        %mul3A_1028 = arith.mulf %get3A_1024, %get3A_1027 : vector<16xf32>
        %add3A_1029 = arith.addf %add3A_1021, %mul3A_1028 : vector<16xf32>
        %swap3A_1030 = arith.constant 13 : i32
        %swap3A_1031 = arith.index_cast %swap3A_1030 : i32 to index
        %swap3A_1032 = arith.constant 0 : index
        %swap3A_1033 = tpu.vector_load %arg11[%swap3A_1031, %swap3A_1032] {strides = array<i32>} : memref<16x16xf32, #tpu.memory_space<vmem>>, vector<16xf32>,
        tpu.vector_store %arg11[%swap3A_1031, %swap3A_1032], %add3A_1029 {strides = array<i32>} : memref<16x16xf32, #tpu.memory_space<vmem>>, vector<16xf32>,
        %add3A_1034 = arith.constant 14 : i32
        %add3A_1035 = arith.addi %add3A_69, %add3A_1034 : i32
        %get3A_1036 = arith.index_cast %add3A_1035 : i32 to index
        %get3A_1037 = arith.constant 0 : index
        %get3A_1038 = tpu.vector_load %arg8[%get3A_1036, %get3A_1037] {strides = array<i32>} : memref<160x128xf32, #tpu.memory_space<vmem>>, vector<16xf32>,
        %get3A_1039 = arith.index_cast %add3A_1035 : i32 to index
        %get3A_1040 = arith.constant 0 : index
        %get3A_1041 = tpu.vector_load %arg9[%get3A_1039, %get3A_1040] {strides = array<i32>} : memref<160x128xf32, #tpu.memory_space<vmem>>, vector<16xf32>,
        %mul3A_1042 = arith.mulf %get3A_1038, %get3A_1041 : vector<16xf32>
        %get3A_1043 = arith.index_cast %add3A_1035 : i32 to index
        %get3A_1044 = arith.constant 16 : index
        %get3A_1045 = tpu.vector_load %arg8[%get3A_1043, %get3A_1044] {strides = array<i32>} : memref<160x128xf32, #tpu.memory_space<vmem>>, vector<16xf32>,
        %get3A_1046 = arith.index_cast %add3A_1035 : i32 to index
        %get3A_1047 = arith.constant 16 : index
        %get3A_1048 = tpu.vector_load %arg9[%get3A_1046, %get3A_1047] {strides = array<i32>} : memref<160x128xf32, #tpu.memory_space<vmem>>, vector<16xf32>,
        %mul3A_1049 = arith.mulf %get3A_1045, %get3A_1048 : vector<16xf32>
        %add3A_1050 = arith.addf %mul3A_1042, %mul3A_1049 : vector<16xf32>
        %get3A_1051 = arith.index_cast %add3A_1035 : i32 to index
        %get3A_1052 = arith.constant 32 : index
        %get3A_1053 = tpu.vector_load %arg8[%get3A_1051, %get3A_1052] {strides = array<i32>} : memref<160x128xf32, #tpu.memory_space<vmem>>, vector<16xf32>,
        %get3A_1054 = arith.index_cast %add3A_1035 : i32 to index
        %get3A_1055 = arith.constant 32 : index
        %get3A_1056 = tpu.vector_load %arg9[%get3A_1054, %get3A_1055] {strides = array<i32>} : memref<160x128xf32, #tpu.memory_space<vmem>>, vector<16xf32>,
        %mul3A_1057 = arith.mulf %get3A_1053, %get3A_1056 : vector<16xf32>
        %add3A_1058 = arith.addf %add3A_1050, %mul3A_1057 : vector<16xf32>
        %get3A_1059 = arith.index_cast %add3A_1035 : i32 to index
        %get3A_1060 = arith.constant 48 : index
        %get3A_1061 = tpu.vector_load %arg8[%get3A_1059, %get3A_1060] {strides = array<i32>} : memref<160x128xf32, #tpu.memory_space<vmem>>, vector<16xf32>,
        %get3A_1062 = arith.index_cast %add3A_1035 : i32 to index
        %get3A_1063 = arith.constant 48 : index
        %get3A_1064 = tpu.vector_load %arg9[%get3A_1062, %get3A_1063] {strides = array<i32>} : memref<160x128xf32, #tpu.memory_space<vmem>>, vector<16xf32>,
        %mul3A_1065 = arith.mulf %get3A_1061, %get3A_1064 : vector<16xf32>
        %add3A_1066 = arith.addf %add3A_1058, %mul3A_1065 : vector<16xf32>
        %get3A_1067 = arith.index_cast %add3A_1035 : i32 to index
        %get3A_1068 = arith.constant 64 : index
        %get3A_1069 = tpu.vector_load %arg8[%get3A_1067, %get3A_1068] {strides = array<i32>} : memref<160x128xf32, #tpu.memory_space<vmem>>, vector<16xf32>,
        %get3A_1070 = arith.index_cast %add3A_1035 : i32 to index
        %get3A_1071 = arith.constant 64 : index
        %get3A_1072 = tpu.vector_load %arg9[%get3A_1070, %get3A_1071] {strides = array<i32>} : memref<160x128xf32, #tpu.memory_space<vmem>>, vector<16xf32>,
        %mul3A_1073 = arith.mulf %get3A_1069, %get3A_1072 : vector<16xf32>
        %add3A_1074 = arith.addf %add3A_1066, %mul3A_1073 : vector<16xf32>
        %get3A_1075 = arith.index_cast %add3A_1035 : i32 to index
        %get3A_1076 = arith.constant 80 : index
        %get3A_1077 = tpu.vector_load %arg8[%get3A_1075, %get3A_1076] {strides = array<i32>} : memref<160x128xf32, #tpu.memory_space<vmem>>, vector<16xf32>,
        %get3A_1078 = arith.index_cast %add3A_1035 : i32 to index
        %get3A_1079 = arith.constant 80 : index
        %get3A_1080 = tpu.vector_load %arg9[%get3A_1078, %get3A_1079] {strides = array<i32>} : memref<160x128xf32, #tpu.memory_space<vmem>>, vector<16xf32>,
        %mul3A_1081 = arith.mulf %get3A_1077, %get3A_1080 : vector<16xf32>
        %add3A_1082 = arith.addf %add3A_1074, %mul3A_1081 : vector<16xf32>
        %get3A_1083 = arith.index_cast %add3A_1035 : i32 to index
        %get3A_1084 = arith.constant 96 : index
        %get3A_1085 = tpu.vector_load %arg8[%get3A_1083, %get3A_1084] {strides = array<i32>} : memref<160x128xf32, #tpu.memory_space<vmem>>, vector<16xf32>,
        %get3A_1086 = arith.index_cast %add3A_1035 : i32 to index
        %get3A_1087 = arith.constant 96 : index
        %get3A_1088 = tpu.vector_load %arg9[%get3A_1086, %get3A_1087] {strides = array<i32>} : memref<160x128xf32, #tpu.memory_space<vmem>>, vector<16xf32>,
        %mul3A_1089 = arith.mulf %get3A_1085, %get3A_1088 : vector<16xf32>
        %add3A_1090 = arith.addf %add3A_1082, %mul3A_1089 : vector<16xf32>
        %get3A_1091 = arith.index_cast %add3A_1035 : i32 to index
        %get3A_1092 = arith.constant 112 : index
        %get3A_1093 = tpu.vector_load %arg8[%get3A_1091, %get3A_1092] {strides = array<i32>} : memref<160x128xf32, #tpu.memory_space<vmem>>, vector<16xf32>,
        %get3A_1094 = arith.index_cast %add3A_1035 : i32 to index
        %get3A_1095 = arith.constant 112 : index
        %get3A_1096 = tpu.vector_load %arg9[%get3A_1094, %get3A_1095] {strides = array<i32>} : memref<160x128xf32, #tpu.memory_space<vmem>>, vector<16xf32>,
        %mul3A_1097 = arith.mulf %get3A_1093, %get3A_1096 : vector<16xf32>
        %add3A_1098 = arith.addf %add3A_1090, %mul3A_1097 : vector<16xf32>
        %swap3A_1099 = arith.constant 14 : i32
        %swap3A_1100 = arith.index_cast %swap3A_1099 : i32 to index
        %swap3A_1101 = arith.constant 0 : index
        %swap3A_1102 = tpu.vector_load %arg11[%swap3A_1100, %swap3A_1101] {strides = array<i32>} : memref<16x16xf32, #tpu.memory_space<vmem>>, vector<16xf32>,
        tpu.vector_store %arg11[%swap3A_1100, %swap3A_1101], %add3A_1098 {strides = array<i32>} : memref<16x16xf32, #tpu.memory_space<vmem>>, vector<16xf32>,
        %add3A_1103 = arith.constant 15 : i32
        %add3A_1104 = arith.addi %add3A_69, %add3A_1103 : i32
        %get3A_1105 = arith.index_cast %add3A_1104 : i32 to index
        %get3A_1106 = arith.constant 0 : index
        %get3A_1107 = tpu.vector_load %arg8[%get3A_1105, %get3A_1106] {strides = array<i32>} : memref<160x128xf32, #tpu.memory_space<vmem>>, vector<16xf32>,
        %get3A_1108 = arith.index_cast %add3A_1104 : i32 to index
        %get3A_1109 = arith.constant 0 : index
        %get3A_1110 = tpu.vector_load %arg9[%get3A_1108, %get3A_1109] {strides = array<i32>} : memref<160x128xf32, #tpu.memory_space<vmem>>, vector<16xf32>,
        %mul3A_1111 = arith.mulf %get3A_1107, %get3A_1110 : vector<16xf32>
        %get3A_1112 = arith.index_cast %add3A_1104 : i32 to index
        %get3A_1113 = arith.constant 16 : index
        %get3A_1114 = tpu.vector_load %arg8[%get3A_1112, %get3A_1113] {strides = array<i32>} : memref<160x128xf32, #tpu.memory_space<vmem>>, vector<16xf32>,
        %get3A_1115 = arith.index_cast %add3A_1104 : i32 to index
        %get3A_1116 = arith.constant 16 : index
        %get3A_1117 = tpu.vector_load %arg9[%get3A_1115, %get3A_1116] {strides = array<i32>} : memref<160x128xf32, #tpu.memory_space<vmem>>, vector<16xf32>,
        %mul3A_1118 = arith.mulf %get3A_1114, %get3A_1117 : vector<16xf32>
        %add3A_1119 = arith.addf %mul3A_1111, %mul3A_1118 : vector<16xf32>
        %get3A_1120 = arith.index_cast %add3A_1104 : i32 to index
        %get3A_1121 = arith.constant 32 : index
        %get3A_1122 = tpu.vector_load %arg8[%get3A_1120, %get3A_1121] {strides = array<i32>} : memref<160x128xf32, #tpu.memory_space<vmem>>, vector<16xf32>,
        %get3A_1123 = arith.index_cast %add3A_1104 : i32 to index
        %get3A_1124 = arith.constant 32 : index
        %get3A_1125 = tpu.vector_load %arg9[%get3A_1123, %get3A_1124] {strides = array<i32>} : memref<160x128xf32, #tpu.memory_space<vmem>>, vector<16xf32>,
        %mul3A_1126 = arith.mulf %get3A_1122, %get3A_1125 : vector<16xf32>
        %add3A_1127 = arith.addf %add3A_1119, %mul3A_1126 : vector<16xf32>
        %get3A_1128 = arith.index_cast %add3A_1104 : i32 to index
        %get3A_1129 = arith.constant 48 : index
        %get3A_1130 = tpu.vector_load %arg8[%get3A_1128, %get3A_1129] {strides = array<i32>} : memref<160x128xf32, #tpu.memory_space<vmem>>, vector<16xf32>,
        %get3A_1131 = arith.index_cast %add3A_1104 : i32 to index
        %get3A_1132 = arith.constant 48 : index
        %get3A_1133 = tpu.vector_load %arg9[%get3A_1131, %get3A_1132] {strides = array<i32>} : memref<160x128xf32, #tpu.memory_space<vmem>>, vector<16xf32>,
        %mul3A_1134 = arith.mulf %get3A_1130, %get3A_1133 : vector<16xf32>
        %add3A_1135 = arith.addf %add3A_1127, %mul3A_1134 : vector<16xf32>
        %get3A_1136 = arith.index_cast %add3A_1104 : i32 to index
        %get3A_1137 = arith.constant 64 : index
        %get3A_1138 = tpu.vector_load %arg8[%get3A_1136, %get3A_1137] {strides = array<i32>} : memref<160x128xf32, #tpu.memory_space<vmem>>, vector<16xf32>,
        %get3A_1139 = arith.index_cast %add3A_1104 : i32 to index
        %get3A_1140 = arith.constant 64 : index
        %get3A_1141 = tpu.vector_load %arg9[%get3A_1139, %get3A_1140] {strides = array<i32>} : memref<160x128xf32, #tpu.memory_space<vmem>>, vector<16xf32>,
        %mul3A_1142 = arith.mulf %get3A_1138, %get3A_1141 : vector<16xf32>
        %add3A_1143 = arith.addf %add3A_1135, %mul3A_1142 : vector<16xf32>
        %get3A_1144 = arith.index_cast %add3A_1104 : i32 to index
        %get3A_1145 = arith.constant 80 : index
        %get3A_1146 = tpu.vector_load %arg8[%get3A_1144, %get3A_1145] {strides = array<i32>} : memref<160x128xf32, #tpu.memory_space<vmem>>, vector<16xf32>,
        %get3A_1147 = arith.index_cast %add3A_1104 : i32 to index
        %get3A_1148 = arith.constant 80 : index
        %get3A_1149 = tpu.vector_load %arg9[%get3A_1147, %get3A_1148] {strides = array<i32>} : memref<160x128xf32, #tpu.memory_space<vmem>>, vector<16xf32>,
        %mul3A_1150 = arith.mulf %get3A_1146, %get3A_1149 : vector<16xf32>
        %add3A_1151 = arith.addf %add3A_1143, %mul3A_1150 : vector<16xf32>
        %get3A_1152 = arith.index_cast %add3A_1104 : i32 to index
        %get3A_1153 = arith.constant 96 : index
        %get3A_1154 = tpu.vector_load %arg8[%get3A_1152, %get3A_1153] {strides = array<i32>} : memref<160x128xf32, #tpu.memory_space<vmem>>, vector<16xf32>,
        %get3A_1155 = arith.index_cast %add3A_1104 : i32 to index
        %get3A_1156 = arith.constant 96 : index
        %get3A_1157 = tpu.vector_load %arg9[%get3A_1155, %get3A_1156] {strides = array<i32>} : memref<160x128xf32, #tpu.memory_space<vmem>>, vector<16xf32>,
        %mul3A_1158 = arith.mulf %get3A_1154, %get3A_1157 : vector<16xf32>
        %add3A_1159 = arith.addf %add3A_1151, %mul3A_1158 : vector<16xf32>
        %get3A_1160 = arith.index_cast %add3A_1104 : i32 to index
        %get3A_1161 = arith.constant 112 : index
        %get3A_1162 = tpu.vector_load %arg8[%get3A_1160, %get3A_1161] {strides = array<i32>} : memref<160x128xf32, #tpu.memory_space<vmem>>, vector<16xf32>,
        %get3A_1163 = arith.index_cast %add3A_1104 : i32 to index
        %get3A_1164 = arith.constant 112 : index
        %get3A_1165 = tpu.vector_load %arg9[%get3A_1163, %get3A_1164] {strides = array<i32>} : memref<160x128xf32, #tpu.memory_space<vmem>>, vector<16xf32>,
        %mul3A_1166 = arith.mulf %get3A_1162, %get3A_1165 : vector<16xf32>
        %add3A_1167 = arith.addf %add3A_1159, %mul3A_1166 : vector<16xf32>
        %swap3A_1168 = arith.constant 15 : i32
        %swap3A_1169 = arith.index_cast %swap3A_1168 : i32 to index
        %swap3A_1170 = arith.constant 0 : index
        %swap3A_1171 = tpu.vector_load %arg11[%swap3A_1169, %swap3A_1170] {strides = array<i32>} : memref<16x16xf32, #tpu.memory_space<vmem>>, vector<16xf32>,
        tpu.vector_store %arg11[%swap3A_1169, %swap3A_1170], %add3A_1167 {strides = array<i32>} : memref<16x16xf32, #tpu.memory_space<vmem>>, vector<16xf32>,
        %broadcast_in_dim3A = arith.constant 0.000000e+00 : f32
        %broadcast_in_dim3A_1172 = vector.broadcast %broadcast_in_dim3A : f32 to vector<16xf32>
        %gather3A = tpu.vector_load_idx %arg11[%iota3A, %iota3A] : memref<16x16xf32, #tpu.memory_space<vmem>>[vector<16xi32>, vector<16xi32>], vector<16xf32>,
        %add3A_1173 = arith.addf %broadcast_in_dim3A_1172, %gather3A : vector<16xf32>
        %add3A_1174 = arith.constant 1 : i32
        %add3A_1175 = vector.broadcast %add3A_1174 : i32 to vector<16xi32>
        %add3A_1176 = arith.addi %iota3A, %add3A_1175 : vector<16xi32>
        %and3A = arith.constant 15 : i32
        %and3A_1177 = vector.broadcast %and3A : i32 to vector<16xi32>
        %and3A_1178 = arith.andi %add3A_1176, %and3A_1177 : vector<16xi32>
        %gather3A_1179 = tpu.vector_load_idx %arg11[%iota3A, %and3A_1178] : memref<16x16xf32, #tpu.memory_space<vmem>>[vector<16xi32>, vector<16xi32>], vector<16xf32>,
        %add3A_1180 = arith.addf %add3A_1173, %gather3A_1179 : vector<16xf32>
        %add3A_1181 = arith.constant 1 : i32
        %add3A_1182 = vector.broadcast %add3A_1181 : i32 to vector<16xi32>
        %add3A_1183 = arith.addi %and3A_1178, %add3A_1182 : vector<16xi32>
        %and3A_1184 = arith.constant 15 : i32
        %and3A_1185 = vector.broadcast %and3A_1184 : i32 to vector<16xi32>
        %and3A_1186 = arith.andi %add3A_1183, %and3A_1185 : vector<16xi32>
        %gather3A_1187 = tpu.vector_load_idx %arg11[%iota3A, %and3A_1186] : memref<16x16xf32, #tpu.memory_space<vmem>>[vector<16xi32>, vector<16xi32>], vector<16xf32>,
        %add3A_1188 = arith.addf %add3A_1180, %gather3A_1187 : vector<16xf32>
        %add3A_1189 = arith.constant 1 : i32
        %add3A_1190 = vector.broadcast %add3A_1189 : i32 to vector<16xi32>
        %add3A_1191 = arith.addi %and3A_1186, %add3A_1190 : vector<16xi32>
        %and3A_1192 = arith.constant 15 : i32
        %and3A_1193 = vector.broadcast %and3A_1192 : i32 to vector<16xi32>
        %and3A_1194 = arith.andi %add3A_1191, %and3A_1193 : vector<16xi32>
        %gather3A_1195 = tpu.vector_load_idx %arg11[%iota3A, %and3A_1194] : memref<16x16xf32, #tpu.memory_space<vmem>>[vector<16xi32>, vector<16xi32>], vector<16xf32>,
        %add3A_1196 = arith.addf %add3A_1188, %gather3A_1195 : vector<16xf32>
        %add3A_1197 = arith.constant 1 : i32
        %add3A_1198 = vector.broadcast %add3A_1197 : i32 to vector<16xi32>
        %add3A_1199 = arith.addi %and3A_1194, %add3A_1198 : vector<16xi32>
        %and3A_1200 = arith.constant 15 : i32
        %and3A_1201 = vector.broadcast %and3A_1200 : i32 to vector<16xi32>
        %and3A_1202 = arith.andi %add3A_1199, %and3A_1201 : vector<16xi32>
        %gather3A_1203 = tpu.vector_load_idx %arg11[%iota3A, %and3A_1202] : memref<16x16xf32, #tpu.memory_space<vmem>>[vector<16xi32>, vector<16xi32>], vector<16xf32>,
        %add3A_1204 = arith.addf %add3A_1196, %gather3A_1203 : vector<16xf32>
        %add3A_1205 = arith.constant 1 : i32
        %add3A_1206 = vector.broadcast %add3A_1205 : i32 to vector<16xi32>
        %add3A_1207 = arith.addi %and3A_1202, %add3A_1206 : vector<16xi32>
        %and3A_1208 = arith.constant 15 : i32
        %and3A_1209 = vector.broadcast %and3A_1208 : i32 to vector<16xi32>
        %and3A_1210 = arith.andi %add3A_1207, %and3A_1209 : vector<16xi32>
        %gather3A_1211 = tpu.vector_load_idx %arg11[%iota3A, %and3A_1210] : memref<16x16xf32, #tpu.memory_space<vmem>>[vector<16xi32>, vector<16xi32>], vector<16xf32>,
        %add3A_1212 = arith.addf %add3A_1204, %gather3A_1211 : vector<16xf32>
        %add3A_1213 = arith.constant 1 : i32
        %add3A_1214 = vector.broadcast %add3A_1213 : i32 to vector<16xi32>
        %add3A_1215 = arith.addi %and3A_1210, %add3A_1214 : vector<16xi32>
        %and3A_1216 = arith.constant 15 : i32
        %and3A_1217 = vector.broadcast %and3A_1216 : i32 to vector<16xi32>
        %and3A_1218 = arith.andi %add3A_1215, %and3A_1217 : vector<16xi32>
        %gather3A_1219 = tpu.vector_load_idx %arg11[%iota3A, %and3A_1218] : memref<16x16xf32, #tpu.memory_space<vmem>>[vector<16xi32>, vector<16xi32>], vector<16xf32>,
        %add3A_1220 = arith.addf %add3A_1212, %gather3A_1219 : vector<16xf32>
        %add3A_1221 = arith.constant 1 : i32
        %add3A_1222 = vector.broadcast %add3A_1221 : i32 to vector<16xi32>
        %add3A_1223 = arith.addi %and3A_1218, %add3A_1222 : vector<16xi32>
        %and3A_1224 = arith.constant 15 : i32
        %and3A_1225 = vector.broadcast %and3A_1224 : i32 to vector<16xi32>
        %and3A_1226 = arith.andi %add3A_1223, %and3A_1225 : vector<16xi32>
        %gather3A_1227 = tpu.vector_load_idx %arg11[%iota3A, %and3A_1226] : memref<16x16xf32, #tpu.memory_space<vmem>>[vector<16xi32>, vector<16xi32>], vector<16xf32>,
        %add3A_1228 = arith.addf %add3A_1220, %gather3A_1227 : vector<16xf32>
        %add3A_1229 = arith.constant 1 : i32
        %add3A_1230 = vector.broadcast %add3A_1229 : i32 to vector<16xi32>
        %add3A_1231 = arith.addi %and3A_1226, %add3A_1230 : vector<16xi32>
        %and3A_1232 = arith.constant 15 : i32
        %and3A_1233 = vector.broadcast %and3A_1232 : i32 to vector<16xi32>
        %and3A_1234 = arith.andi %add3A_1231, %and3A_1233 : vector<16xi32>
        %gather3A_1235 = tpu.vector_load_idx %arg11[%iota3A, %and3A_1234] : memref<16x16xf32, #tpu.memory_space<vmem>>[vector<16xi32>, vector<16xi32>], vector<16xf32>,
        %add3A_1236 = arith.addf %add3A_1228, %gather3A_1235 : vector<16xf32>
        %add3A_1237 = arith.constant 1 : i32
        %add3A_1238 = vector.broadcast %add3A_1237 : i32 to vector<16xi32>
        %add3A_1239 = arith.addi %and3A_1234, %add3A_1238 : vector<16xi32>
        %and3A_1240 = arith.constant 15 : i32
        %and3A_1241 = vector.broadcast %and3A_1240 : i32 to vector<16xi32>
        %and3A_1242 = arith.andi %add3A_1239, %and3A_1241 : vector<16xi32>
        %gather3A_1243 = tpu.vector_load_idx %arg11[%iota3A, %and3A_1242] : memref<16x16xf32, #tpu.memory_space<vmem>>[vector<16xi32>, vector<16xi32>], vector<16xf32>,
        %add3A_1244 = arith.addf %add3A_1236, %gather3A_1243 : vector<16xf32>
        %add3A_1245 = arith.constant 1 : i32
        %add3A_1246 = vector.broadcast %add3A_1245 : i32 to vector<16xi32>
        %add3A_1247 = arith.addi %and3A_1242, %add3A_1246 : vector<16xi32>
        %and3A_1248 = arith.constant 15 : i32
        %and3A_1249 = vector.broadcast %and3A_1248 : i32 to vector<16xi32>
        %and3A_1250 = arith.andi %add3A_1247, %and3A_1249 : vector<16xi32>
        %gather3A_1251 = tpu.vector_load_idx %arg11[%iota3A, %and3A_1250] : memref<16x16xf32, #tpu.memory_space<vmem>>[vector<16xi32>, vector<16xi32>], vector<16xf32>,
        %add3A_1252 = arith.addf %add3A_1244, %gather3A_1251 : vector<16xf32>
        %add3A_1253 = arith.constant 1 : i32
        %add3A_1254 = vector.broadcast %add3A_1253 : i32 to vector<16xi32>
        %add3A_1255 = arith.addi %and3A_1250, %add3A_1254 : vector<16xi32>
        %and3A_1256 = arith.constant 15 : i32
        %and3A_1257 = vector.broadcast %and3A_1256 : i32 to vector<16xi32>
        %and3A_1258 = arith.andi %add3A_1255, %and3A_1257 : vector<16xi32>
        %gather3A_1259 = tpu.vector_load_idx %arg11[%iota3A, %and3A_1258] : memref<16x16xf32, #tpu.memory_space<vmem>>[vector<16xi32>, vector<16xi32>], vector<16xf32>,
        %add3A_1260 = arith.addf %add3A_1252, %gather3A_1259 : vector<16xf32>
        %add3A_1261 = arith.constant 1 : i32
        %add3A_1262 = vector.broadcast %add3A_1261 : i32 to vector<16xi32>
        %add3A_1263 = arith.addi %and3A_1258, %add3A_1262 : vector<16xi32>
        %and3A_1264 = arith.constant 15 : i32
        %and3A_1265 = vector.broadcast %and3A_1264 : i32 to vector<16xi32>
        %and3A_1266 = arith.andi %add3A_1263, %and3A_1265 : vector<16xi32>
        %gather3A_1267 = tpu.vector_load_idx %arg11[%iota3A, %and3A_1266] : memref<16x16xf32, #tpu.memory_space<vmem>>[vector<16xi32>, vector<16xi32>], vector<16xf32>,
        %add3A_1268 = arith.addf %add3A_1260, %gather3A_1267 : vector<16xf32>
        %add3A_1269 = arith.constant 1 : i32
        %add3A_1270 = vector.broadcast %add3A_1269 : i32 to vector<16xi32>
        %add3A_1271 = arith.addi %and3A_1266, %add3A_1270 : vector<16xi32>
        %and3A_1272 = arith.constant 15 : i32
        %and3A_1273 = vector.broadcast %and3A_1272 : i32 to vector<16xi32>
        %and3A_1274 = arith.andi %add3A_1271, %and3A_1273 : vector<16xi32>
        %gather3A_1275 = tpu.vector_load_idx %arg11[%iota3A, %and3A_1274] : memref<16x16xf32, #tpu.memory_space<vmem>>[vector<16xi32>, vector<16xi32>], vector<16xf32>,
        %add3A_1276 = arith.addf %add3A_1268, %gather3A_1275 : vector<16xf32>
        %add3A_1277 = arith.constant 1 : i32
        %add3A_1278 = vector.broadcast %add3A_1277 : i32 to vector<16xi32>
        %add3A_1279 = arith.addi %and3A_1274, %add3A_1278 : vector<16xi32>
        %and3A_1280 = arith.constant 15 : i32
        %and3A_1281 = vector.broadcast %and3A_1280 : i32 to vector<16xi32>
        %and3A_1282 = arith.andi %add3A_1279, %and3A_1281 : vector<16xi32>
        %gather3A_1283 = tpu.vector_load_idx %arg11[%iota3A, %and3A_1282] : memref<16x16xf32, #tpu.memory_space<vmem>>[vector<16xi32>, vector<16xi32>], vector<16xf32>,
        %add3A_1284 = arith.addf %add3A_1276, %gather3A_1283 : vector<16xf32>
        %add3A_1285 = arith.constant 1 : i32
        %add3A_1286 = vector.broadcast %add3A_1285 : i32 to vector<16xi32>
        %add3A_1287 = arith.addi %and3A_1282, %add3A_1286 : vector<16xi32>
        %and3A_1288 = arith.constant 15 : i32
        %and3A_1289 = vector.broadcast %and3A_1288 : i32 to vector<16xi32>
        %and3A_1290 = arith.andi %add3A_1287, %and3A_1289 : vector<16xi32>
        %gather3A_1291 = tpu.vector_load_idx %arg11[%iota3A, %and3A_1290] : memref<16x16xf32, #tpu.memory_space<vmem>>[vector<16xi32>, vector<16xi32>], vector<16xf32>,
        %add3A_1292 = arith.addf %add3A_1284, %gather3A_1291 : vector<16xf32>
        %add3A_1293 = arith.constant 1 : i32
        %add3A_1294 = vector.broadcast %add3A_1293 : i32 to vector<16xi32>
        %add3A_1295 = arith.addi %and3A_1290, %add3A_1294 : vector<16xi32>
        %and3A_1296 = arith.constant 15 : i32
        %and3A_1297 = vector.broadcast %and3A_1296 : i32 to vector<16xi32>
        %and3A_1298 = arith.andi %add3A_1295, %and3A_1297 : vector<16xi32>
        %neg3A = arith.constant 0.000000e+00 : f32
        %neg3A_1299 = vector.broadcast %neg3A : f32 to vector<16xf32>
        %neg3A_1300 = arith.subf %neg3A_1299, %add3A_1292 : vector<16xf32>
        %exp3A = math.exp %neg3A_1300 : vector<16xf32>
        %add3A_1301 = arith.constant 1.000000e+00 : f32
        %add3A_1302 = vector.broadcast %add3A_1301 : f32 to vector<16xf32>
        %add3A_1303 = arith.addf %add3A_1302, %exp3A : vector<16xf32>
        %div3A = arith.constant 1.000000e+00 : f32
        %div3A_1304 = vector.broadcast %div3A : f32 to vector<16xf32>
        %div3A_1305 = arith.divf %div3A_1304, %add3A_1303 : vector<16xf32>
        %mul3A_1306 = arith.constant 80 : i32
        %mul3A_1307 = arith.muli %scan3A_29, %mul3A_1306 : i32
        %mul3A_1308 = arith.constant 16 : i32
        %mul3A_1309 = arith.muli %scan3A_66, %mul3A_1308 : i32
        %add3A_1310 = arith.addi %mul3A_1307, %mul3A_1309 : i32
        %swap3A_1311 = arith.index_cast %add3A_1310 : i32 to index
        %swap3A_1312 = tpu.vector_load %arg10[%swap3A_1311] {strides = array<i32>} : memref<10000xf32, #tpu.memory_space<vmem>>, vector<16xf32>,
        tpu.vector_store %arg10[%swap3A_1311], %div3A_1305 {strides = array<i32>} : memref<10000xf32, #tpu.memory_space<vmem>>, vector<16xf32>,
      }
      %scan3A_65 = arith.constant 5 : i32
    }
    %scan3A_28 = arith.constant 125 : i32
    "tpu.region"() ({
      %run_scoped3A = tpu.sem_alloc : memref<!tpu.dma_semaphore, #tpu.memory_space<semaphore_mem>>
      %dma_start3A_29 = tpu.memref_slice %arg5[%mul3A_2] : memref<320000xf32, #tpu.memory_space<hbm>> -> memref<10000xf32, #tpu.memory_space<hbm>>
      %dma_start3A_30 = tpu.memref_slice %arg5[%mul3A_2] : memref<320000xf32, #tpu.memory_space<hbm>> -> memref<10000xf32, #tpu.memory_space<hbm>>
      tpu.enqueue_dma source(%arg10 : memref<10000xf32, #tpu.memory_space<vmem>>) target(%dma_start3A_30 : memref<10000xf32, #tpu.memory_space<hbm>>) target_semaphore(%run_scoped3A : memref<!tpu.dma_semaphore, #tpu.memory_space<semaphore_mem>>)
      %dma_wait3A = tpu.memref_slice %arg5[%mul3A_2] : memref<320000xf32, #tpu.memory_space<hbm>> -> memref<10000xf32, #tpu.memory_space<hbm>>
      %dma_wait3A_31 = tpu.memref_slice %arg5[%mul3A_2] : memref<320000xf32, #tpu.memory_space<hbm>> -> memref<10000xf32, #tpu.memory_space<hbm>>
      tpu.wait_dma2 semaphore(%run_scoped3A : memref<!tpu.dma_semaphore, #tpu.memory_space<semaphore_mem>>) src(%arg10 : memref<10000xf32, #tpu.memory_space<vmem>>) dst(%dma_wait3A_31 : memref<10000xf32, #tpu.memory_space<hbm>>)
      tpu.yield
    }) : () -> ()
    return
  }
}

</mosaic_0001>

<sc_bundles>
// kernel: kernel.3.cloned.1.call-start
scs
__scs_entry_jumppad:
0x0: {  	(pc) =	sbr.rel $0x88, $3  }
0x1: {  	(tag) =	ssettag $0x0;
	lr =	simm.s32 $0x1  }
0x2: {  	[smem:$0x3F9F] =	sst lr;
	_ =	strace $0xD0000000  }
0x3: {  	_ = 	snop  }
0x4: {  	_ = 	snop  }
0x5: {  	_ = 	snop  }
0x6: {  	_ = 	snop  }
0x7: {  	_ = 	snop  }
__scs_overlays_trampoline_lowered:
0x8: {  	[smem:$0x3FAE] =	sst s0  }
0x9: {  	[smem:$0x3FAF] =	sst s1  }
0xa: {  	[smem:$0x3FB0] =	sst s2  }
0xb: {  	[smem:$0x3FB1] =	sst s3  }
0xc: {  	[smem:$0x3FB2] =	sst s4  }
0xd: {  	[smem:$0x3FB3] =	sst s5  }
0xe: {  	[smem:$0x3FB4] =	sst s6  }
0xf: {  	[smem:$0x3FB5] =	sst s7  }
0x10: {  	[smem:$0x3FB6] =	sst s8  }
0x11: {  	[smem:$0x3FB7] =	sst s9;
	s0 =	simm.s32 @!p0 $0x0  }
0x12: {  	s1 =	sld [smem:$0x3F9D];
	s0 =	simm.s32 @p0 $0x1  }
0x13: {  	[smem:$0x3FB8] =	sst s0;
	s0 =	simm.s32 @!p1 $0x0  }
0x14: {  	s2 =	sld [smem:$0x3F9C];
	s0 =	simm.s32 @p1 $0x1  }
0x15: {  	[smem:$0x3FB9] =	sst s0;
	s0 =	simm.s32 @!p2 $0x0  }
0x16: {  	s3 =	sld [smem:$0x3FDB];
	s0 =	simm.s32 @p2 $0x1  }
0x17: {  	s4 =	simm.s32 $0x1BF5;
	[smem:$0x3FBB] =	sst s0  }
0x18: {  	s0 =	sld [smem:$0x3F9E];
	_ =	swait.ge [sflag:s4], $0x0  }
0x19: {  	s7 =	sld [smem:$0x3F9F]  }
0x1a: {  	s8 =	sadd.s32 $0xFFFFE003, lr  }
0x1b: {  	s9 =	sadd.s32 $0xFFFFFEF7, lr;
	s5 =	simm.s32 $0xFFFFFFFF;
	p2 =	slt.u32 s8, $0xFFFFF086  }
0x1c: {  	p1 =	slt.u32 s9, $0xF7A;
	s5 =	simm.s32 @!p2 $0x0  }
0x1d: {  	s5 =	simm.s32 @p1 $0x1;
	p0 =	seq.s32 s7, s2  }
0x1e: {  	s7 =	smul.u32 @!p0 $0xF7A, s2;
	p2 =	seq.s32 @!p0 s5, $0x0  }
0x1f: {  	s9 =	smul.u32 $0xF7A, s1;
	s8 =	simm.s32 @!p0 $0x1BF5;
	p2 =	por !p2, p0  }
0x20: {  	[sflag:s8] =	ssyncset.s32 @!p0 $0xFFFFF086;
	s6 =	sadd.s32 @!p0 s3, s7;
	s7 =	simm.s32 @!p0 $0x108  }
0x21: {  	s3 =	sadd.s32 s3, s9;
	s6 =	sadd.s32 @!p0 $0x88, s6;
	s7 =	simm.s32 @p2 $0x1082  }
0x22: {  	[simem:s7], [sflag:s8] =	dma.local @!p0 [hbm:s6], $0xF7A  }
0x23: {  	s9 =	sor.u32 $0xD0000000, s2;
	s6 =	simm.s32 $0x108;
	_ =	swait.ge @!p0 [sflag:s8], $0x0  }
0x24: {  	s3 =	sadd.s32 $0x88, s3;
	s6 =	simm.s32 @!p1 $0x1082;
	[sflag:s4] =	ssyncset.s32 $0xFFFFF086  }
0x25: {  	[simem:s6], [sflag:s4] =	dma.local [hbm:s3], $0xF7A  }
0x26: {  	[smem:$0x3F9F] =	sst s1;
	(tag) =	ssettag s2;
	_ =	strace s9  }
0x27: {  	s1 =	sld [smem:$0x3FAF]  }
0x28: {  	s2 =	sld [smem:$0x3FB0]  }
0x29: {  	s4 =	sld [smem:$0x3FB2]  }
0x2a: {  	p0 =	seq.s32 s5, $0x0;
	s5 =	sld [smem:$0x3FB3]  }
0x2b: {  	s6 =	sld [smem:$0x3FB4]  }
0x2c: {  	s7 =	sld [smem:$0x3FB5]  }
0x2d: {  	s3 =	simm.s32 $0x108;
	s8 =	sld [smem:$0x3FB6]  }
0x2e: {  	s3 =	simm.s32 @!p0 $0x1082;
	s9 =	sld [smem:$0x3FB7]  }
0x2f: {  	lr =	sadd.s32 s0, s3;
	s0 =	sld [smem:$0x3FAE]  }
0x30: {  	s3 =	sld [smem:$0x3FB1]  }
0x31: {  	[smem:$0x3FBA] =	sst s10  }
0x32: {  	s10 =	sld [smem:$0x3FB8];
	_ =	sdelay $0x3  }
0x33: {  	p0 =	seq.s32 s10, $0x1;
	s10 =	sld [smem:$0x3FBA];
	_ =	sdelay $0x3  }
0x34: {  	[smem:$0x3FBA] =	sst s10  }
0x35: {  	s10 =	sld [smem:$0x3FB9];
	_ =	sdelay $0x3  }
0x36: {  	p1 =	seq.s32 s10, $0x1;
	s10 =	sld [smem:$0x3FBA];
	_ =	sdelay $0x3  }
0x37: {  	[smem:$0x3FBA] =	sst s10  }
0x38: {  	s10 =	sld [smem:$0x3FBB]  }
0x39: {  	_ = 	snop;
	(pc) =	sbr.ind lr, $3  }
0x3a: {  	_ = 	snop  }
0x3b: {  	_ = 	snop  }
0x3c: {  	p2 =	seq.s32 s10, $0x1;
	s10 =	sld [smem:$0x3FBA]  }
0x3d: {  	_ =	shalt  }
0x3e: {  	_ =	shalt  }
0x3f: {  	_ =	shalt  }
0x40: {  	_ =	shalt  }
0x41: {  	_ =	shalt  }
0x42: {  	_ =	shalt  }
0x43: {  	_ =	shalt  }
0x44: {  	_ =	shalt  }
0x45: {  	_ =	shalt  }
0x46: {  	_ =	shalt  }
0x47: {  	_ =	shalt  }
0x48: {  	_ =	shalt  }
0x49: {  	_ =	shalt  }
0x4a: {  	_ =	shalt  }
0x4b: {  	_ =	shalt  }
0x4c: {  	_ =	shalt  }
0x4d: {  	_ =	shalt  }
0x4e: {  	_ =	shalt  }
0x4f: {  	_ =	shalt  }
0x50: {  	_ =	shalt  }
0x51: {  	_ =	shalt  }
0x52: {  	_ =	shalt  }
0x53: {  	_ =	shalt  }
0x54: {  	_ =	shalt  }
0x55: {  	_ =	shalt  }
0x56: {  	_ =	shalt  }
0x57: {  	_ =	shalt  }
0x58: {  	_ =	shalt  }
0x59: {  	_ =	shalt  }
0x5a: {  	_ =	shalt  }
0x5b: {  	_ =	shalt  }
0x5c: {  	_ =	shalt  }
0x5d: {  	_ =	shalt  }
0x5e: {  	_ =	shalt  }
0x5f: {  	_ =	shalt  }
0x60: {  	_ =	shalt  }
0x61: {  	_ =	shalt  }
0x62: {  	_ =	shalt  }
0x63: {  	_ =	shalt  }
0x64: {  	_ =	shalt  }
0x65: {  	_ =	shalt  }
0x66: {  	_ =	shalt  }
0x67: {  	_ =	shalt  }
0x68: {  	_ =	shalt  }
0x69: {  	_ =	shalt  }
0x6a: {  	_ =	shalt  }
0x6b: {  	_ =	shalt  }
0x6c: {  	_ =	shalt  }
0x6d: {  	_ =	shalt  }
0x6e: {  	_ =	shalt  }
0x6f: {  	_ =	shalt  }
0x70: {  	_ =	shalt  }
0x71: {  	_ =	shalt  }
0x72: {  	_ =	shalt  }
0x73: {  	_ =	shalt  }
0x74: {  	_ =	shalt  }
0x75: {  	_ =	shalt  }
0x76: {  	_ =	shalt  }
0x77: {  	_ =	shalt  }
0x78: {  	_ =	shalt  }
0x79: {  	_ =	shalt  }
0x7a: {  	_ =	shalt  }
0x7b: {  	_ =	shalt  }
0x7c: {  	_ =	shalt  }
0x7d: {  	_ =	shalt  }
0x7e: {  	_ =	shalt  }
0x7f: {  	_ =	shalt  }
0x80: {  	_ =	shalt  }
0x81: {  	_ =	shalt  }
0x82: {  	_ =	shalt  }
0x83: {  	_ =	shalt  }
0x84: {  	_ =	shalt  }
0x85: {  	_ =	shalt  }
0x86: {  	_ =	shalt  }
0x87: {  	_ =	shalt  }
.Lfunc_end0:
.L_simem_size_0:
called_computation_lowered:
.L_overlay_start_0:
0x88: {  	s2 =	sld [smem:$0x3FD9]  }
0x89: {  	s3 =	sld [smem:$0x3FFE];
	_ =	sdelay $0x1  }
0x8a: {  	s1 =	srdreg.scid  }
0x8b: {  	s0 =	sand.u32 $0x1, s1  }
0x8c: {  	s17 =	sshll.u32 s0, $0xA;
	s2 =	sadd.s32 s3, s2  }
0x8d: {  	s2 =	sadd.s32 s2, s17  }
0x8e: {  	[smem:$0x3FC6] =	sst s2  }
0x8f: {  	_ = 	snop  }
0x90: {  	s2 =	sld [smem:$0x3FC9]  }
0x91: {  	s18 =	sld [smem:$0x3FD0];
	(tm) =	ssettm $0x1  }
0x92: {  	s4 =	sld [smem:$0x3FFB];
	_ =	sdelay $0x3  }
0x93: {  	_ =	strace s4  }
0x94: {  	s4 =	sld [smem:$0x3FFC];
	_ =	sdelay $0x3  }
0x95: {  	_ =	strace s4  }
0x96: {  	s4 =	sld [smem:$0x3FFD];
	_ =	sdelay $0x3  }
0x97: {  	_ =	strace s4  }
0x98: {  	_ =	strace $0x8FFFFFFF  }
0x99: {  	s19 =	sld [smem:$0x3FDB];
	_ =	sdelay $0x1  }
0x9a: {  	s5 =	simm.s32 $_scs_section_size  }
0x9b: {  	s6 =	simm.s32 $_size__tile_overlayer_lowered;
	s7 =	simm.s32 $_tile_overlayer_lowered  }
0x9c: {  	s22 =	simm.s32 $0x1BFF;
	s21 =	sshll.u32 s7, $0x1;
	s4 =	sadd.s32 s5, s19  }
0x9d: {  	s8 =	simm.s32 $0x0;
	s20 =	sshll.u32 s6, $0x1;
	s6 =	sadd.s32 s21, s4  }
0x9e: {  	[timem:s8], [sflag:s22] =	dma.local [hbm:s6], s20  }
0x9f: {  	_ =	swait.ge [sflag:s22], s20  }
0xa0: {  	s5 =	ssub.s32 $0x0, s20;
	[sflag:s22] =	ssyncset.done $0x0  }
0xa1: {  	[sflag:s22] =	ssyncadd.s32 s5;
	_ =	sdelay $0x1  }
0xa2: {  	s23 =	simm.s32 $0x1B8B  }
0xa3: {  	_ =	swait.ge [sflag:s23], $0x1  }
0xa4: {  	[sflag:s23] =	ssyncset.done $0x0  }
0xa5: {  	s25 =	simm.s32 $0x1B8E;
	s24 =	sld [smem:$0x3FFE];
	[sflag:s23] =	ssyncadd.s32 $0xFFFFFFFF  }
0xa6: {  	s26 =	simm.s32 $execute0_lowered;
	[smem:$0x3FD2] =	sst s25  }
0xa7: {  	s6 =	sshll.u32 s26, $0x1;
	_ =	strace $0x80000046;
	[dreg:$0x1] =	wrdreg $0xFFFFFFFF  }
0xa8: {  	s28 =	simm.s32 $_size_execute0_lowered;
	s4 =	sadd.s32 s4, s6;
	[dreg:$0x0] =	wrdreg $0x0  }
0xa9: {  	s6 =	sshll.u32 s28, $0x1;
	[dreg:$0x2] =	wrdreg s4  }
0xaa: {  	[dreg:$0x3] =	wrdreg s6  }
0xab: {  	[dreg:$0x4] =	wrdreg $0xC0  }
0xac: {  	_ =	task [dreg:s8], $0x5FFFF  }
0xad: {  	[dreg:$0x1] =	wrdreg $0xFFFFFFFF  }
0xae: {  	[dreg:$0x0] =	wrdreg $0x60  }
0xaf: {  	[dreg:$0x2] =	wrdreg s2  }
0xb0: {  	[dreg:$0x3] =	wrdreg s24  }
0xb1: {  	[dreg:$0x4] =	wrdreg s18  }
0xb2: {  	[dreg:$0x5] =	wrdreg $0x9  }
0xb3: {  	_ =	task.clear_ibuf [dreg:s8], $0x6FFFF;
	_ =	strace $0x90000046  }
0xb4: {  	s29 =	simm.s32 $0x9;
	_ =	strace $0x80000048  }
0xb5: {  	_ =	swait.ge [sflag:s29], $0x1  }
0xb6: {  	[sflag:s29] =	ssyncadd.s32 $0xFFFFFFFF  }
0xb7: {  	_ =	strace $0x90000048  }
0xb8: {  	_ =	sfence  }
0xb9: {  	s30 =	sld [smem:$0x0];
	_ =	sdelay $0x2  }
0xba: {  	s31 =	sshll.u32 s1, $0xD;
	s1 =	sshrl.u32 s1, $0x2  }
0xbb: {  	s3 =	sand.u32 $0x4000, s31;
	s1 =	sadd.s32 s1, s30  }
0xbc: {  	s0 =	sor.u32 s3, s0;
	s1 =	sshll.u32 s1, $0x11  }
0xbd: {  	s0 =	sor.u32 s1, s0  }
0xbe: {  	s0 =	sadd.s32 $0x8F2B, s0  }
0xbf: {  	[sflag:s0] =	ssyncadd.remote.s32 $0x1  }
0xc0: {  	_ =	sfence.sel $0xFFFF  }
0xc1: {  	[dreg:$0x0] =	wrdreg $0xFFFFFFFF;
	(pc) =	sbr.abs _section_cstart, $3  }
0xc2: {  	[dreg:$0x1] =	wrdreg $0xFFFFFFFF  }
0xc3: {  	_ =	task.clear_ibuf [dreg:s8], $0x2FFFF;
	_ =	strace $0x9FFFFFFF  }
0xc4: {  	(tm) =	ssettm $0x7FFFFFFF  }
0xc5: {  	_ =	shalt  }
tec
execute0_lowered:
.L_overlay_start_1:
0x0: {  	(tag) =	ssettag $0x1  }
0x1: {  	v0 =	vimm.s32 $0x780;
	vm14 =	vcmask $0x300  }
0x2: {  	vm13 =	vcmask $0x704;
	vm12 =	vcmask $0xB08;
	vm11 =	vcmask $0xF0C  }
0x3: {  	vm10 =	vcmask $0x1310;
	vm9 =	vcmask $0x1714;
	v1 =	vlaneseq.u32  }
0x4: {  	vm7 =	vcmask $0x1B18;
	vm0 =	vcmask $0x1F1C;
	v3 =	vimm.s32 $0x782  }
0x5: {  	vm1 =	vcmask $0x2320;
	vm2 =	vcmask $0x2724;
	vm3 =	vcmask $0x2B28  }
0x6: {  	vm4 =	vcmask $0x2F2C;
	vm5 =	vcmask $0x3330;
	vm6 =	vcmask $0x3734  }
0x7: {  	vm8 =	vcmask $0x3B38;
	v4 =	vimm.s32 $0x783;
	v5 =	vimm.s32 $0x784  }
0x8: {  	v6 =	vimm.s32 $0x785;
	v7 =	vimm.s32 $0x786;
	v8 =	vimm.s32 $0x787  }
0x9: {  	v9 =	vimm.s32 $0x788;
	v10 =	vimm.s32 $0x789;
	v11 =	vimm.s32 $0x78A  }
0xa: {  	v12 =	vimm.s32 $0x78B;
	v13 =	vimm.s32 $0x78C;
	v14 =	vimm.s32 $0x78D  }
0xb: {  	v15 =	vimm.s32 $0x78E;
	v0 =	vsel vm14, $0x1, v0;
	v3 =	vsel vm14, $0x3, v3  }
0xc: {  	v4 =	vsel vm14, $0x4, v4;
	v5 =	vsel vm14, $0x5, v5;
	v6 =	vsel vm14, $0x6, v6  }
0xd: {  	v7 =	vsel vm14, $0x7, v7;
	v8 =	vsel vm14, $0x8, v8;
	v9 =	vsel vm14, $0x9, v9  }
0xe: {  	v10 =	vsel vm14, $0xA, v10;
	v11 =	vsel vm14, $0xB, v11;
	v12 =	vsel vm14, $0xC, v12  }
0xf: {  	v13 =	vsel vm14, $0xD, v13;
	v14 =	vsel vm14, $0xE, v14;
	v15 =	vsel vm14, $0xF, v15  }
0x10: {  	v0 =	vsel vm13, $0x82, v0;
	v3 =	vsel vm13, $0x84, v3;
	v4 =	vsel vm13, $0x85, v4  }
0x11: {  	v5 =	vsel vm13, $0x86, v5;
	v6 =	vsel vm13, $0x87, v6;
	v7 =	vsel vm13, $0x88, v7  }
0x12: {  	v8 =	vsel vm13, $0x89, v8;
	v9 =	vsel vm13, $0x8A, v9;
	v10 =	vsel vm13, $0x8B, v10  }
0x13: {  	v11 =	vsel vm13, $0x8C, v11;
	v12 =	vsel vm13, $0x8D, v12;
	v13 =	vsel vm13, $0x8E, v13  }
0x14: {  	v14 =	vsel vm13, $0x8F, v14;
	v15 =	vsel vm13, $0x80, v15;
	v0 =	vsel vm12, $0x103, v0  }
0x15: {  	v3 =	vsel vm12, $0x105, v3;
	v4 =	vsel vm12, $0x106, v4;
	v5 =	vsel vm12, $0x107, v5  }
0x16: {  	v6 =	vsel vm12, $0x108, v6;
	v7 =	vsel vm12, $0x109, v7;
	v8 =	vsel vm12, $0x10A, v8  }
0x17: {  	v9 =	vsel vm12, $0x10B, v9;
	v10 =	vsel vm12, $0x10C, v10;
	v11 =	vsel vm12, $0x10D, v11  }
0x18: {  	v12 =	vsel vm12, $0x10E, v12;
	v13 =	vsel vm12, $0x10F, v13;
	v14 =	vsel vm12, $0x100, v14  }
0x19: {  	v15 =	vsel vm12, $0x101, v15;
	v0 =	vsel vm11, $0x184, v0;
	v3 =	vsel vm11, $0x186, v3  }
0x1a: {  	v4 =	vsel vm11, $0x187, v4;
	v5 =	vsel vm11, $0x188, v5;
	v6 =	vsel vm11, $0x189, v6  }
0x1b: {  	v7 =	vsel vm11, $0x18A, v7;
	v8 =	vsel vm11, $0x18B, v8;
	v9 =	vsel vm11, $0x18C, v9  }
0x1c: {  	v10 =	vsel vm11, $0x18D, v10;
	v11 =	vsel vm11, $0x18E, v11;
	v12 =	vsel vm11, $0x18F, v12  }
0x1d: {  	v13 =	vsel vm11, $0x180, v13;
	v14 =	vsel vm11, $0x181, v14;
	v15 =	vsel vm11, $0x182, v15  }
0x1e: {  	v0 =	vsel vm10, $0x205, v0;
	v3 =	vsel vm10, $0x207, v3;
	v4 =	vsel vm10, $0x208, v4  }
0x1f: {  	v5 =	vsel vm10, $0x209, v5;
	v6 =	vsel vm10, $0x20A, v6;
	v7 =	vsel vm10, $0x20B, v7  }
0x20: {  	v8 =	vsel vm10, $0x20C, v8;
	v9 =	vsel vm10, $0x20D, v9;
	v10 =	vsel vm10, $0x20E, v10  }
0x21: {  	v11 =	vsel vm10, $0x20F, v11;
	v12 =	vsel vm10, $0x200, v12;
	v13 =	vsel vm10, $0x201, v13  }
0x22: {  	v14 =	vsel vm10, $0x202, v14;
	v15 =	vsel vm10, $0x203, v15;
	v2 =	vsel vm9, $0x286, v0  }
0x23: {  	v0 =	vmul.u32 $0x81, v1;
	v3 =	vsel vm9, $0x288, v3;
	v4 =	vsel vm9, $0x289, v4  }
0x24: {  	v5 =	vsel vm9, $0x28A, v5;
	v6 =	vsel vm9, $0x28B, v6;
	v7 =	vsel vm9, $0x28C, v7  }
0x25: {  	v8 =	vsel vm9, $0x28D, v8;
	v9 =	vsel vm9, $0x28E, v9;
	v10 =	vsel vm9, $0x28F, v10  }
0x26: {  	v11 =	vsel vm9, $0x280, v11;
	v12 =	vsel vm9, $0x281, v12;
	v13 =	vsel vm9, $0x282, v13  }
0x27: {  	v14 =	vsel vm9, $0x283, v14;
	v15 =	vsel vm9, $0x284, v15;
	v1 =	vsel vm7, $0x307, v2  }
0x28: {  	v2 =	vimm.s32 $0x781;
	v3 =	vsel vm7, $0x309, v3;
	v4 =	vsel vm7, $0x30A, v4  }
0x29: {  	v5 =	vsel vm7, $0x30B, v5;
	v6 =	vsel vm7, $0x30C, v6;
	v7 =	vsel vm7, $0x30D, v7  }
0x2a: {  	v8 =	vsel vm7, $0x30E, v8;
	v9 =	vsel vm7, $0x30F, v9;
	v10 =	vsel vm7, $0x300, v10  }
0x2b: {  	v11 =	vsel vm7, $0x301, v11;
	v12 =	vsel vm7, $0x302, v12;
	v13 =	vsel vm7, $0x303, v13  }
0x2c: {  	v14 =	vsel vm7, $0x304, v14;
	v15 =	vsel vm7, $0x305, v15;
	v1 =	vsel vm0, $0x388, v1  }
0x2d: {  	v2 =	vsel vm14, $0x2, v2;
	v3 =	vsel vm0, $0x38A, v3;
	v4 =	vsel vm0, $0x38B, v4  }
0x2e: {  	v5 =	vsel vm0, $0x38C, v5;
	v6 =	vsel vm0, $0x38D, v6;
	v7 =	vsel vm0, $0x38E, v7  }
0x2f: {  	v8 =	vsel vm0, $0x38F, v8;
	v9 =	vsel vm0, $0x380, v9;
	v10 =	vsel vm0, $0x381, v10  }
0x30: {  	v11 =	vsel vm0, $0x382, v11;
	v12 =	vsel vm0, $0x383, v12;
	v13 =	vsel vm0, $0x384, v13  }
0x31: {  	v14 =	vsel vm0, $0x385, v14;
	v15 =	vsel vm0, $0x386, v15;
	v2 =	vsel vm13, $0x83, v2  }
0x32: {  	v1 =	vsel vm1, $0x409, v1;
	v3 =	vsel vm1, $0x40B, v3;
	v4 =	vsel vm1, $0x40C, v4  }
0x33: {  	v5 =	vsel vm1, $0x40D, v5;
	v6 =	vsel vm1, $0x40E, v6;
	v7 =	vsel vm1, $0x40F, v7  }
0x34: {  	v8 =	vsel vm1, $0x400, v8;
	v9 =	vsel vm1, $0x401, v9;
	v10 =	vsel vm1, $0x402, v10  }
0x35: {  	v11 =	vsel vm1, $0x403, v11;
	v12 =	vsel vm1, $0x404, v12;
	v13 =	vsel vm1, $0x405, v13  }
0x36: {  	v14 =	vsel vm1, $0x406, v14;
	v15 =	vsel vm1, $0x407, v15;
	v2 =	vsel vm12, $0x104, v2  }
0x37: {  	v1 =	vsel vm2, $0x48A, v1;
	v3 =	vsel vm2, $0x48C, v3;
	v4 =	vsel vm2, $0x48D, v4  }
0x38: {  	v5 =	vsel vm2, $0x48E, v5;
	v6 =	vsel vm2, $0x48F, v6;
	v7 =	vsel vm2, $0x480, v7  }
0x39: {  	v8 =	vsel vm2, $0x481, v8;
	v9 =	vsel vm2, $0x482, v9;
	v10 =	vsel vm2, $0x483, v10  }
0x3a: {  	v11 =	vsel vm2, $0x484, v11;
	v12 =	vsel vm2, $0x485, v12;
	v13 =	vsel vm2, $0x486, v13  }
0x3b: {  	v14 =	vsel vm2, $0x487, v14;
	v15 =	vsel vm2, $0x488, v15;
	v2 =	vsel vm11, $0x185, v2  }
0x3c: {  	v1 =	vsel vm3, $0x50B, v1;
	v3 =	vsel vm3, $0x50D, v3;
	v4 =	vsel vm3, $0x50E, v4  }
0x3d: {  	v5 =	vsel vm3, $0x50F, v5;
	v6 =	vsel vm3, $0x500, v6;
	v7 =	vsel vm3, $0x501, v7  }
0x3e: {  	v8 =	vsel vm3, $0x502, v8;
	v9 =	vsel vm3, $0x503, v9;
	v10 =	vsel vm3, $0x504, v10  }
0x3f: {  	v11 =	vsel vm3, $0x505, v11;
	v12 =	vsel vm3, $0x506, v12;
	v13 =	vsel vm3, $0x507, v13  }
0x40: {  	v14 =	vsel vm3, $0x508, v14;
	v15 =	vsel vm3, $0x509, v15;
	v2 =	vsel vm10, $0x206, v2  }
0x41: {  	v1 =	vsel vm4, $0x58C, v1;
	v3 =	vsel vm4, $0x58E, v3;
	v4 =	vsel vm4, $0x58F, v4  }
0x42: {  	v5 =	vsel vm4, $0x580, v5;
	v6 =	vsel vm4, $0x581, v6;
	v7 =	vsel vm4, $0x582, v7  }
0x43: {  	v8 =	vsel vm4, $0x583, v8;
	v9 =	vsel vm4, $0x584, v9;
	v10 =	vsel vm4, $0x585, v10  }
0x44: {  	v11 =	vsel vm4, $0x586, v11;
	v12 =	vsel vm4, $0x587, v12;
	v13 =	vsel vm4, $0x588, v13  }
0x45: {  	v14 =	vsel vm4, $0x589, v14;
	v15 =	vsel vm4, $0x58A, v15;
	v2 =	vsel vm9, $0x287, v2  }
0x46: {  	v1 =	vsel vm5, $0x60D, v1;
	v3 =	vsel vm5, $0x60F, v3;
	v4 =	vsel vm5, $0x600, v4  }
0x47: {  	v5 =	vsel vm5, $0x601, v5;
	v6 =	vsel vm5, $0x602, v6;
	v7 =	vsel vm5, $0x603, v7  }
0x48: {  	v8 =	vsel vm5, $0x604, v8;
	v9 =	vsel vm5, $0x605, v9;
	v10 =	vsel vm5, $0x606, v10  }
0x49: {  	v11 =	vsel vm5, $0x607, v11;
	v12 =	vsel vm5, $0x608, v12;
	v13 =	vsel vm5, $0x609, v13  }
0x4a: {  	v14 =	vsel vm5, $0x60A, v14;
	v15 =	vsel vm5, $0x60B, v15;
	v2 =	vsel vm7, $0x308, v2  }
0x4b: {  	v1 =	vsel vm6, $0x68E, v1;
	v3 =	vsel vm6, $0x680, v3;
	v4 =	vsel vm6, $0x681, v4  }
0x4c: {  	v5 =	vsel vm6, $0x682, v5;
	v6 =	vsel vm6, $0x683, v6;
	v7 =	vsel vm6, $0x684, v7  }
0x4d: {  	s0 =	rddreg [dreg:$0x0];
	s2 =	srdreg.scid;
	v8 =	vsel vm6, $0x685, v8;
	v9 =	vsel vm6, $0x686, v9;
	v10 =	vsel vm6, $0x687, v10  }
0x4e: {  	s1 =	stileid.u32;
	s4 =	rddreg [dreg:$0x1];
	v11 =	vsel vm6, $0x688, v11;
	v12 =	vsel vm6, $0x689, v12;
	v13 =	vsel vm6, $0x68A, v13  }
0x4f: {  	s6 =	rddreg [dreg:$0x2];
	s3 =	simm.s32 $0x0;
	s9 =	simm.s32 $0x2780;
	v14 =	vsel vm6, $0x68B, v14;
	v15 =	vsel vm6, $0x68C, v15;
	v2 =	vsel vm0, $0x389, v2  }
0x50: {  	s10 =	simm.s32 $0x50;
	s11 =	simm.s32 $0x4F00;
	s12 =	simm.s32 $0x9F00;
	v1 =	vsel vm8, $0x70F, v1;
	v3 =	vsel vm8, $0x701, v3;
	v2 =	vsel vm1, $0x40A, v2  }
0x51: {  	s13 =	simm.s32 $0x11680;
	s5 =	sand.u32 $0x1, s2;
	s31 =	sshll.u32 s1, $0x1;
	v4 =	vsel vm8, $0x702, v4;
	v5 =	vsel vm8, $0x703, v5;
	v2 =	vsel vm2, $0x48B, v2  }
0x52: {  	s14 =	simm.s32 $0xEF00;
	s15 =	simm.s32 $0x0;
	s7 =	sor.u32 s5, s31;
	v6 =	vsel vm8, $0x704, v6;
	v7 =	vsel vm8, $0x705, v7;
	v2 =	vsel vm3, $0x50C, v2  }
0x53: {  	[smem:$0x7FF] =	sst s3;
	s5 =	ssub.s32 $0x2, s5;
	s7 =	smul.u32 $0x4E2, s7;
	v8 =	vsel vm8, $0x706, v8;
	v9 =	vsel vm8, $0x707, v9;
	v2 =	vsel vm4, $0x58D, v2  }
0x54: {  	s2 =	rddreg [dreg:$0x3];
	_ =	strace $0x80000047;
	s8 =	sshrl.u32 s5, $0x1;
	v10 =	vsel vm8, $0x708, v10;
	v11 =	vsel vm8, $0x709, v11;
	v2 =	vsel vm5, $0x60E, v2  }
0x55: {  	s8 =	ssub.s32 s5, s8;
	s4 =	sadd.s32 s4, s7;
	s6 =	sadd.s32 s6, s7;
	v12 =	vsel vm8, $0x70A, v12;
	v13 =	vsel vm8, $0x70B, v13;
	v2 =	vsel vm6, $0x68F, v2  }
0x56: {  	s7 =	smax.u32 s8, $0x1;
	s8 =	simm.s32 $0x5;
	s5 =	sadd.s32 $0x9E00, s4;
	v14 =	vsel vm8, $0x70C, v14;
	v15 =	vsel vm8, $0x70D, v15;
	v2 =	vsel vm8, $0x700, v2  }
.LBB2_1:
0x57: {  	[tilespmem:s3], [sflag:$0x5] =	stream.linear.gather [hbm4b:s5+s3], $0x2710, $0x38;
	[tilespmem:$0x11E80] =	vst v63  }
0x58: {  	_ =	swait.ge [sflag:s8], $0x2710  }
0x59: {  	[sflag:s8] =	ssyncset.done $0x0  }
0x5a: {  	[sflag:s8] =	ssyncadd.s32 $0xFFFFD8F0  }
0x5b: {  	[tilespmem:s9], [sflag:$0x5] =	stream.linear.gather [hbm4b:s4+s3], $0x2710, $0x38;
	[tilespmem:$0x11E80] =	vst v63  }
0x5c: {  	_ =	swait.ge [sflag:s8], $0x2710  }
0x5d: {  	[sflag:s8] =	ssyncset.done $0x0  }
0x5e: {  	[sflag:s8] =	ssyncadd.s32 $0xFFFFD8F0  }
0x5f: {  	[tilespmem:s11], [sflag:$0x1] =	stream.indirect.gather [hbm4b:s0+s10], $0x80, s3, s10, $0xb8;
	[tilespmem:$0x11E80] =	vst v63  }
0x60: {  	s16 =	simm.s32 $0x0  }
0x61: {  	[tilespmem:s12], [sflag:$0x3] =	stream.indirect.gather [hbm4b:s0+s10], $0x80, s9, s10, $0xb8;
	[tilespmem:$0x11E80] =	vst v63  }
.LBB2_3:
0x62: {  	s18 =	sand.u32 $0x1, s16  }
0x63: {  	s17 =	smov.u32 s16;
	s16 =	sadd.s32 $0x1, s18  }
0x64: {  	_ =	swait.ge [sflag:s16], $0x2800  }
0x65: {  	[sflag:s16] =	ssyncset.done $0x0  }
0x66: {  	s19 =	sadd.s32 $0x3, s18;
	p0 =	seq.s32 s17, $0x7C;
	[sflag:s16] =	ssyncadd.s32 $0xFFFFD800  }
0x67: {  	s24 =	simm.s32 @!p0 $0x50;
	s16 =	sadd.s32 $0x1, s17;
	_ =	swait.ge [sflag:s19], $0x2800  }
0x68: {  	s17 =	smul.u32 $0x140, s17;
	s20 =	sand.u32 @!p0 $0x1, s16;
	[sflag:s19] =	ssyncset.done $0x0  }
0x69: {  	s21 =	smul.u32 @!p0 $0x2800, s20;
	s23 =	sadd.s32 @!p0 $0x1, s20;
	s20 =	sadd.s32 @!p0 $0x3, s20  }
0x6a: {  	s17 =	sshra.s32 s17, $0x2;
	[sflag:s19] =	ssyncadd.s32 $0xFFFFD800;
	s19 =	smul.u32 @!p0 $0x50, s16  }
0x6b: {  	s31 =	sadd.s32 $0xEF00, s17;
	s17 =	smul.u32 $0x50, s18;
	s22 =	sadd.s32 @!p0 $0x4F00, s21  }
0x6c: {  	[tilespmem:s22], [sflag:s23] =	stream.indirect.gather @!p0 [hbm4b:s0+s24], $0x80, s19, s24, $0xb8;
	[tilespmem:$0x11E80] =	vst v63  }
0x6d: {  	s18 =	simm.s32 $0x0;
	s21 =	sadd.s32 @!p0 $0x9F00, s21;
	s19 =	sadd.s32 @!p0 $0x2780, s19  }
0x6e: {  	v16 =	vmov s31;
	[tilespmem:s21], [sflag:s20] =	stream.indirect.gather @!p0 [hbm4b:s0+s24], $0x80, s19, s24, $0xb8;
	[tilespmem:$0x11E80] =	vst v63  }
.LBB2_4:
0x6f: {  	s19 =	sshll.u32 s18, $0x4  }
0x70: {  	s20 =	sadd.s32 s17, s19  }
0x71: {  	s20 =	sshll.u32 s20, $0x7  }
0x72: {  	v17 =	vld [tilespmem:s20+$0x4F00]  }
0x73: {  	v18 =	vld [tilespmem:s20+$0x9F00]  }
0x74: {  	v19 =	vld [tilespmem:s20+$0x4F10]  }
0x75: {  	v20 =	vld [tilespmem:s20+$0x9F10]  }
0x76: {  	v21 =	vld [tilespmem:s20+$0x4F20]  }
0x77: {  	v22 =	vld [tilespmem:s20+$0x9F20]  }
0x78: {  	v23 =	vld [tilespmem:s20+$0x4F30]  }
0x79: {  	v24 =	vld [tilespmem:s20+$0x9F30]  }
0x7a: {  	v32 =	vld [tilespmem:s20+$0x9F40];
	v17 =	vmul.f32 v18, v17;
	v18 =	vmul.f32 v20, v19  }
0x7b: {  	v19 =	vld [tilespmem:s20+$0x4F40]  }
0x7c: {  	v33 =	vld [tilespmem:s20+$0x4F50];
	v17 =	vadd.f32 v18, v17;
	v18 =	vmul.f32 v22, v21  }
0x7d: {  	v34 =	vld [tilespmem:s20+$0x9F50]  }
0x7e: {  	v35 =	vld [tilespmem:s20+$0x4F60];
	v17 =	vadd.f32 v18, v17;
	v18 =	vmul.f32 v24, v23  }
0x7f: {  	v36 =	vld [tilespmem:s20+$0x9F60]  }
0x80: {  	v37 =	vld [tilespmem:s20+$0x9F70];
	v17 =	vadd.f32 v18, v17;
	v18 =	vmul.f32 v32, v19  }
0x81: {  	v19 =	vld [tilespmem:s20+$0x4F70]  }
0x82: {  	v17 =	vadd.f32 v18, v17;
	v18 =	vmul.f32 v34, v33;
	_ =	sdelay $0x1  }
0x83: {  	v17 =	vadd.f32 v18, v17;
	v18 =	vmul.f32 v36, v35;
	_ =	sdelay $0x1  }
0x84: {  	v17 =	vadd.f32 v18, v17;
	v18 =	vmul.f32 v37, v19;
	_ =	sdelay $0x1  }
0x85: {  	v17 =	vadd.f32 v18, v17;
	_ =	sdelay $0x1  }
0x86: {  	[tilespmem:$0x11680] =	vst v17  }
0x87: {  	v17 =	vld [tilespmem:s20+$0x4F80]  }
0x88: {  	v18 =	vld [tilespmem:s20+$0x9F80]  }
0x89: {  	v19 =	vld [tilespmem:s20+$0x4F90]  }
0x8a: {  	v38 =	vld [tilespmem:s20+$0x9F90]  }
0x8b: {  	v39 =	vld [tilespmem:s20+$0x4FA0]  }
0x8c: {  	v40 =	vld [tilespmem:s20+$0x9FA0]  }
0x8d: {  	v41 =	vld [tilespmem:s20+$0x4FB0]  }
0x8e: {  	v42 =	vld [tilespmem:s20+$0x9FB0]  }
0x8f: {  	v43 =	vld [tilespmem:s20+$0x9FC0];
	v17 =	vmul.f32 v18, v17;
	v18 =	vmul.f32 v38, v19  }
0x90: {  	v19 =	vld [tilespmem:s20+$0x4FC0]  }
0x91: {  	v44 =	vld [tilespmem:s20+$0x4FD0];
	v17 =	vadd.f32 v18, v17;
	v18 =	vmul.f32 v40, v39  }
0x92: {  	v45 =	vld [tilespmem:s20+$0x9FD0]  }
0x93: {  	v46 =	vld [tilespmem:s20+$0x4FE0];
	v17 =	vadd.f32 v18, v17;
	v18 =	vmul.f32 v42, v41  }
0x94: {  	v47 =	vld [tilespmem:s20+$0x9FE0]  }
0x95: {  	v48 =	vld [tilespmem:s20+$0x9FF0];
	v17 =	vadd.f32 v18, v17;
	v18 =	vmul.f32 v43, v19  }
0x96: {  	v19 =	vld [tilespmem:s20+$0x4FF0]  }
0x97: {  	v17 =	vadd.f32 v18, v17;
	v18 =	vmul.f32 v45, v44;
	_ =	sdelay $0x1  }
0x98: {  	v17 =	vadd.f32 v18, v17;
	v18 =	vmul.f32 v47, v46;
	_ =	sdelay $0x1  }
0x99: {  	v17 =	vadd.f32 v18, v17;
	v18 =	vmul.f32 v48, v19;
	_ =	sdelay $0x1  }
0x9a: {  	v17 =	vadd.f32 v18, v17;
	_ =	sdelay $0x1  }
0x9b: {  	[tilespmem:$0x11700] =	vst v17  }
0x9c: {  	v17 =	vld [tilespmem:s20+$0x5000]  }
0x9d: {  	v18 =	vld [tilespmem:s20+$0xA000]  }
0x9e: {  	v19 =	vld [tilespmem:s20+$0x5010]  }
0x9f: {  	v49 =	vld [tilespmem:s20+$0xA010]  }
0xa0: {  	v50 =	vld [tilespmem:s20+$0x5020]  }
0xa1: {  	v51 =	vld [tilespmem:s20+$0xA020]  }
0xa2: {  	v52 =	vld [tilespmem:s20+$0x5030]  }
0xa3: {  	v53 =	vld [tilespmem:s20+$0xA030]  }
0xa4: {  	v54 =	vld [tilespmem:s20+$0xA040];
	v17 =	vmul.f32 v18, v17;
	v18 =	vmul.f32 v49, v19  }
0xa5: {  	v19 =	vld [tilespmem:s20+$0x5040]  }
0xa6: {  	v55 =	vld [tilespmem:s20+$0x5050];
	v17 =	vadd.f32 v18, v17;
	v18 =	vmul.f32 v51, v50  }
0xa7: {  	v56 =	vld [tilespmem:s20+$0xA050]  }
0xa8: {  	v57 =	vld [tilespmem:s20+$0x5060];
	v17 =	vadd.f32 v18, v17;
	v18 =	vmul.f32 v53, v52  }
0xa9: {  	v58 =	vld [tilespmem:s20+$0xA060]  }
0xaa: {  	v59 =	vld [tilespmem:s20+$0xA070];
	v17 =	vadd.f32 v18, v17;
	v18 =	vmul.f32 v54, v19  }
0xab: {  	v19 =	vld [tilespmem:s20+$0x5070]  }
0xac: {  	v17 =	vadd.f32 v18, v17;
	v18 =	vmul.f32 v56, v55;
	_ =	sdelay $0x1  }
0xad: {  	v17 =	vadd.f32 v18, v17;
	v18 =	vmul.f32 v58, v57;
	_ =	sdelay $0x1  }
0xae: {  	v17 =	vadd.f32 v18, v17;
	v18 =	vmul.f32 v59, v19;
	_ =	sdelay $0x1  }
0xaf: {  	v17 =	vadd.f32 v18, v17;
	_ =	sdelay $0x1  }
0xb0: {  	[tilespmem:$0x11780] =	vst v17  }
0xb1: {  	v17 =	vld [tilespmem:s20+$0x5080]  }
0xb2: {  	v18 =	vld [tilespmem:s20+$0xA080]  }
0xb3: {  	v19 =	vld [tilespmem:s20+$0x5090]  }
0xb4: {  	v60 =	vld [tilespmem:s20+$0xA090]  }
0xb5: {  	v61 =	vld [tilespmem:s20+$0x50A0]  }
0xb6: {  	v62 =	vld [tilespmem:s20+$0xA0A0]  }
0xb7: {  	v63 =	vld [tilespmem:s20+$0x50B0]  }
0xb8: {  	v28 =	vld [tilespmem:s20+$0xA0B0]  }
0xb9: {  	v29 =	vld [tilespmem:s20+$0xA0C0];
	v17 =	vmul.f32 v18, v17;
	v18 =	vmul.f32 v60, v19  }
0xba: {  	v19 =	vld [tilespmem:s20+$0x50C0]  }
0xbb: {  	v30 =	vld [tilespmem:s20+$0x50D0];
	v17 =	vadd.f32 v18, v17;
	v18 =	vmul.f32 v62, v61  }
0xbc: {  	v31 =	vld [tilespmem:s20+$0xA0D0]  }
0xbd: {  	v32 =	vld [tilespmem:s20+$0x50E0];
	v17 =	vadd.f32 v18, v17;
	v18 =	vmul.f32 v28, v63  }
0xbe: {  	v33 =	vld [tilespmem:s20+$0xA0E0]  }
0xbf: {  	v34 =	vld [tilespmem:s20+$0xA0F0];
	v17 =	vadd.f32 v18, v17;
	v18 =	vmul.f32 v29, v19  }
0xc0: {  	v19 =	vld [tilespmem:s20+$0x50F0]  }
0xc1: {  	v17 =	vadd.f32 v18, v17;
	v18 =	vmul.f32 v31, v30;
	_ =	sdelay $0x1  }
0xc2: {  	v17 =	vadd.f32 v18, v17;
	v18 =	vmul.f32 v33, v32;
	_ =	sdelay $0x1  }
0xc3: {  	v17 =	vadd.f32 v18, v17;
	v18 =	vmul.f32 v34, v19;
	_ =	sdelay $0x1  }
0xc4: {  	v17 =	vadd.f32 v18, v17;
	_ =	sdelay $0x1  }
0xc5: {  	[tilespmem:$0x11800] =	vst v17  }
0xc6: {  	v17 =	vld [tilespmem:s20+$0x5100]  }
0xc7: {  	v18 =	vld [tilespmem:s20+$0xA100]  }
0xc8: {  	v19 =	vld [tilespmem:s20+$0x5110]  }
0xc9: {  	v35 =	vld [tilespmem:s20+$0xA110]  }
0xca: {  	v36 =	vld [tilespmem:s20+$0x5120]  }
0xcb: {  	v37 =	vld [tilespmem:s20+$0xA120]  }
0xcc: {  	v38 =	vld [tilespmem:s20+$0x5130]  }
0xcd: {  	v39 =	vld [tilespmem:s20+$0xA130]  }
0xce: {  	v40 =	vld [tilespmem:s20+$0xA140];
	v17 =	vmul.f32 v18, v17;
	v18 =	vmul.f32 v35, v19  }
0xcf: {  	v19 =	vld [tilespmem:s20+$0x5140]  }
0xd0: {  	v41 =	vld [tilespmem:s20+$0x5150];
	v17 =	vadd.f32 v18, v17;
	v18 =	vmul.f32 v37, v36  }
0xd1: {  	v42 =	vld [tilespmem:s20+$0xA150]  }
0xd2: {  	v43 =	vld [tilespmem:s20+$0x5160];
	v17 =	vadd.f32 v18, v17;
	v18 =	vmul.f32 v39, v38  }
0xd3: {  	v44 =	vld [tilespmem:s20+$0xA160]  }
0xd4: {  	v45 =	vld [tilespmem:s20+$0xA170];
	v17 =	vadd.f32 v18, v17;
	v18 =	vmul.f32 v40, v19  }
0xd5: {  	v19 =	vld [tilespmem:s20+$0x5170]  }
0xd6: {  	v17 =	vadd.f32 v18, v17;
	v18 =	vmul.f32 v42, v41;
	_ =	sdelay $0x1  }
0xd7: {  	v17 =	vadd.f32 v18, v17;
	v18 =	vmul.f32 v44, v43;
	_ =	sdelay $0x1  }
0xd8: {  	v17 =	vadd.f32 v18, v17;
	v18 =	vmul.f32 v45, v19;
	_ =	sdelay $0x1  }
0xd9: {  	v17 =	vadd.f32 v18, v17;
	_ =	sdelay $0x1  }
0xda: {  	[tilespmem:$0x11880] =	vst v17  }
0xdb: {  	v17 =	vld [tilespmem:s20+$0x5180]  }
0xdc: {  	v18 =	vld [tilespmem:s20+$0xA180]  }
0xdd: {  	v19 =	vld [tilespmem:s20+$0x5190]  }
0xde: {  	v46 =	vld [tilespmem:s20+$0xA190]  }
0xdf: {  	v47 =	vld [tilespmem:s20+$0x51A0]  }
0xe0: {  	v48 =	vld [tilespmem:s20+$0xA1A0]  }
0xe1: {  	v49 =	vld [tilespmem:s20+$0x51B0]  }
0xe2: {  	v50 =	vld [tilespmem:s20+$0xA1B0]  }
0xe3: {  	v51 =	vld [tilespmem:s20+$0xA1C0];
	v17 =	vmul.f32 v18, v17;
	v18 =	vmul.f32 v46, v19  }
0xe4: {  	v19 =	vld [tilespmem:s20+$0x51C0]  }
0xe5: {  	v52 =	vld [tilespmem:s20+$0x51D0];
	v17 =	vadd.f32 v18, v17;
	v18 =	vmul.f32 v48, v47  }
0xe6: {  	v53 =	vld [tilespmem:s20+$0xA1D0]  }
0xe7: {  	v54 =	vld [tilespmem:s20+$0x51E0];
	v17 =	vadd.f32 v18, v17;
	v18 =	vmul.f32 v50, v49  }
0xe8: {  	v55 =	vld [tilespmem:s20+$0xA1E0]  }
0xe9: {  	v56 =	vld [tilespmem:s20+$0xA1F0];
	v17 =	vadd.f32 v18, v17;
	v18 =	vmul.f32 v51, v19  }
0xea: {  	v19 =	vld [tilespmem:s20+$0x51F0]  }
0xeb: {  	v17 =	vadd.f32 v18, v17;
	v18 =	vmul.f32 v53, v52;
	_ =	sdelay $0x1  }
0xec: {  	v17 =	vadd.f32 v18, v17;
	v18 =	vmul.f32 v55, v54;
	_ =	sdelay $0x1  }
0xed: {  	v17 =	vadd.f32 v18, v17;
	v18 =	vmul.f32 v56, v19;
	_ =	sdelay $0x1  }
0xee: {  	v17 =	vadd.f32 v18, v17;
	_ =	sdelay $0x1  }
0xef: {  	[tilespmem:$0x11900] =	vst v17  }
0xf0: {  	v17 =	vld [tilespmem:s20+$0x5200]  }
0xf1: {  	v18 =	vld [tilespmem:s20+$0xA200]  }
0xf2: {  	v19 =	vld [tilespmem:s20+$0x5210]  }
0xf3: {  	v57 =	vld [tilespmem:s20+$0xA210]  }
0xf4: {  	v58 =	vld [tilespmem:s20+$0x5220]  }
0xf5: {  	v59 =	vld [tilespmem:s20+$0xA220]  }
0xf6: {  	v60 =	vld [tilespmem:s20+$0x5230]  }
0xf7: {  	v61 =	vld [tilespmem:s20+$0xA230]  }
0xf8: {  	v62 =	vld [tilespmem:s20+$0xA240];
	v17 =	vmul.f32 v18, v17;
	v18 =	vmul.f32 v57, v19  }
0xf9: {  	v19 =	vld [tilespmem:s20+$0x5240]  }
0xfa: {  	v63 =	vld [tilespmem:s20+$0x5250];
	v17 =	vadd.f32 v18, v17;
	v18 =	vmul.f32 v59, v58  }
0xfb: {  	v28 =	vld [tilespmem:s20+$0xA250]  }
0xfc: {  	v29 =	vld [tilespmem:s20+$0x5260];
	v17 =	vadd.f32 v18, v17;
	v18 =	vmul.f32 v61, v60  }
0xfd: {  	v30 =	vld [tilespmem:s20+$0xA260]  }
0xfe: {  	v31 =	vld [tilespmem:s20+$0xA270];
	v17 =	vadd.f32 v18, v17;
	v18 =	vmul.f32 v62, v19  }
0xff: {  	v19 =	vld [tilespmem:s20+$0x5270]  }
0x100: {  	v17 =	vadd.f32 v18, v17;
	v18 =	vmul.f32 v28, v63;
	_ =	sdelay $0x1  }
0x101: {  	v17 =	vadd.f32 v18, v17;
	v18 =	vmul.f32 v30, v29;
	_ =	sdelay $0x1  }
0x102: {  	v17 =	vadd.f32 v18, v17;
	v18 =	vmul.f32 v31, v19;
	_ =	sdelay $0x1  }
0x103: {  	v17 =	vadd.f32 v18, v17;
	_ =	sdelay $0x1  }
0x104: {  	[tilespmem:$0x11980] =	vst v17  }
0x105: {  	v17 =	vld [tilespmem:s20+$0x5280]  }
0x106: {  	v18 =	vld [tilespmem:s20+$0xA280]  }
0x107: {  	v19 =	vld [tilespmem:s20+$0x5290]  }
0x108: {  	v32 =	vld [tilespmem:s20+$0xA290]  }
0x109: {  	v33 =	vld [tilespmem:s20+$0x52A0]  }
0x10a: {  	v34 =	vld [tilespmem:s20+$0xA2A0]  }
0x10b: {  	v35 =	vld [tilespmem:s20+$0x52B0]  }
0x10c: {  	v36 =	vld [tilespmem:s20+$0xA2B0]  }
0x10d: {  	v37 =	vld [tilespmem:s20+$0xA2C0];
	v17 =	vmul.f32 v18, v17;
	v18 =	vmul.f32 v32, v19  }
0x10e: {  	v19 =	vld [tilespmem:s20+$0x52C0]  }
0x10f: {  	v38 =	vld [tilespmem:s20+$0x52D0];
	v17 =	vadd.f32 v18, v17;
	v18 =	vmul.f32 v34, v33  }
0x110: {  	v39 =	vld [tilespmem:s20+$0xA2D0]  }
0x111: {  	v40 =	vld [tilespmem:s20+$0x52E0];
	v17 =	vadd.f32 v18, v17;
	v18 =	vmul.f32 v36, v35  }
0x112: {  	v41 =	vld [tilespmem:s20+$0xA2E0]  }
0x113: {  	v42 =	vld [tilespmem:s20+$0xA2F0];
	v17 =	vadd.f32 v18, v17;
	v18 =	vmul.f32 v37, v19  }
0x114: {  	v19 =	vld [tilespmem:s20+$0x52F0]  }
0x115: {  	v17 =	vadd.f32 v18, v17;
	v18 =	vmul.f32 v39, v38;
	_ =	sdelay $0x1  }
0x116: {  	v17 =	vadd.f32 v18, v17;
	v18 =	vmul.f32 v41, v40;
	_ =	sdelay $0x1  }
0x117: {  	v17 =	vadd.f32 v18, v17;
	v18 =	vmul.f32 v42, v19;
	_ =	sdelay $0x1  }
0x118: {  	v17 =	vadd.f32 v18, v17;
	_ =	sdelay $0x1  }
0x119: {  	[tilespmem:$0x11A00] =	vst v17  }
0x11a: {  	v17 =	vld [tilespmem:s20+$0x5300]  }
0x11b: {  	v18 =	vld [tilespmem:s20+$0xA300]  }
0x11c: {  	v19 =	vld [tilespmem:s20+$0x5310]  }
0x11d: {  	v43 =	vld [tilespmem:s20+$0xA310]  }
0x11e: {  	v44 =	vld [tilespmem:s20+$0x5320]  }
0x11f: {  	v45 =	vld [tilespmem:s20+$0xA320]  }
0x120: {  	v46 =	vld [tilespmem:s20+$0x5330]  }
0x121: {  	v47 =	vld [tilespmem:s20+$0xA330]  }
0x122: {  	v48 =	vld [tilespmem:s20+$0xA340];
	v17 =	vmul.f32 v18, v17;
	v18 =	vmul.f32 v43, v19  }
0x123: {  	v19 =	vld [tilespmem:s20+$0x5340]  }
0x124: {  	v49 =	vld [tilespmem:s20+$0x5350];
	v17 =	vadd.f32 v18, v17;
	v18 =	vmul.f32 v45, v44  }
0x125: {  	v50 =	vld [tilespmem:s20+$0xA350]  }
0x126: {  	v51 =	vld [tilespmem:s20+$0x5360];
	v17 =	vadd.f32 v18, v17;
	v18 =	vmul.f32 v47, v46  }
0x127: {  	v52 =	vld [tilespmem:s20+$0xA360]  }
0x128: {  	v53 =	vld [tilespmem:s20+$0xA370];
	v17 =	vadd.f32 v18, v17;
	v18 =	vmul.f32 v48, v19  }
0x129: {  	v19 =	vld [tilespmem:s20+$0x5370]  }
0x12a: {  	v17 =	vadd.f32 v18, v17;
	v18 =	vmul.f32 v50, v49;
	_ =	sdelay $0x1  }
0x12b: {  	v17 =	vadd.f32 v18, v17;
	v18 =	vmul.f32 v52, v51;
	_ =	sdelay $0x1  }
0x12c: {  	v17 =	vadd.f32 v18, v17;
	v18 =	vmul.f32 v53, v19;
	_ =	sdelay $0x1  }
0x12d: {  	v17 =	vadd.f32 v18, v17;
	_ =	sdelay $0x1  }
0x12e: {  	[tilespmem:$0x11A80] =	vst v17  }
0x12f: {  	v17 =	vld [tilespmem:s20+$0x5380]  }
0x130: {  	v18 =	vld [tilespmem:s20+$0xA380]  }
0x131: {  	v19 =	vld [tilespmem:s20+$0x5390]  }
0x132: {  	v54 =	vld [tilespmem:s20+$0xA390]  }
0x133: {  	v55 =	vld [tilespmem:s20+$0x53A0]  }
0x134: {  	v56 =	vld [tilespmem:s20+$0xA3A0]  }
0x135: {  	v57 =	vld [tilespmem:s20+$0x53B0]  }
0x136: {  	v58 =	vld [tilespmem:s20+$0xA3B0]  }
0x137: {  	v59 =	vld [tilespmem:s20+$0xA3C0];
	v17 =	vmul.f32 v18, v17;
	v18 =	vmul.f32 v54, v19  }
0x138: {  	v19 =	vld [tilespmem:s20+$0x53C0]  }
0x139: {  	v60 =	vld [tilespmem:s20+$0x53D0];
	v17 =	vadd.f32 v18, v17;
	v18 =	vmul.f32 v56, v55  }
0x13a: {  	v61 =	vld [tilespmem:s20+$0xA3D0]  }
0x13b: {  	v62 =	vld [tilespmem:s20+$0x53E0];
	v17 =	vadd.f32 v18, v17;
	v18 =	vmul.f32 v58, v57  }
0x13c: {  	v63 =	vld [tilespmem:s20+$0xA3E0]  }
0x13d: {  	v28 =	vld [tilespmem:s20+$0xA3F0];
	v17 =	vadd.f32 v18, v17;
	v18 =	vmul.f32 v59, v19  }
0x13e: {  	v19 =	vld [tilespmem:s20+$0x53F0]  }
0x13f: {  	v17 =	vadd.f32 v18, v17;
	v18 =	vmul.f32 v61, v60;
	_ =	sdelay $0x1  }
0x140: {  	v17 =	vadd.f32 v18, v17;
	v18 =	vmul.f32 v63, v62;
	_ =	sdelay $0x1  }
0x141: {  	v17 =	vadd.f32 v18, v17;
	v18 =	vmul.f32 v28, v19;
	_ =	sdelay $0x1  }
0x142: {  	v17 =	vadd.f32 v18, v17;
	_ =	sdelay $0x1  }
0x143: {  	[tilespmem:$0x11B00] =	vst v17  }
0x144: {  	v17 =	vld [tilespmem:s20+$0x5400]  }
0x145: {  	v18 =	vld [tilespmem:s20+$0xA400]  }
0x146: {  	v19 =	vld [tilespmem:s20+$0x5410]  }
0x147: {  	v29 =	vld [tilespmem:s20+$0xA410]  }
0x148: {  	v30 =	vld [tilespmem:s20+$0x5420]  }
0x149: {  	v31 =	vld [tilespmem:s20+$0xA420]  }
0x14a: {  	v32 =	vld [tilespmem:s20+$0x5430]  }
0x14b: {  	v33 =	vld [tilespmem:s20+$0xA430]  }
0x14c: {  	v34 =	vld [tilespmem:s20+$0xA440];
	v17 =	vmul.f32 v18, v17;
	v18 =	vmul.f32 v29, v19  }
0x14d: {  	v19 =	vld [tilespmem:s20+$0x5440]  }
0x14e: {  	v35 =	vld [tilespmem:s20+$0x5450];
	v17 =	vadd.f32 v18, v17;
	v18 =	vmul.f32 v31, v30  }
0x14f: {  	v36 =	vld [tilespmem:s20+$0xA450]  }
0x150: {  	v37 =	vld [tilespmem:s20+$0x5460];
	v17 =	vadd.f32 v18, v17;
	v18 =	vmul.f32 v33, v32  }
0x151: {  	v38 =	vld [tilespmem:s20+$0xA460]  }
0x152: {  	v39 =	vld [tilespmem:s20+$0xA470];
	v17 =	vadd.f32 v18, v17;
	v18 =	vmul.f32 v34, v19  }
0x153: {  	v19 =	vld [tilespmem:s20+$0x5470]  }
0x154: {  	v17 =	vadd.f32 v18, v17;
	v18 =	vmul.f32 v36, v35;
	_ =	sdelay $0x1  }
0x155: {  	v17 =	vadd.f32 v18, v17;
	v18 =	vmul.f32 v38, v37;
	_ =	sdelay $0x1  }
0x156: {  	v17 =	vadd.f32 v18, v17;
	v18 =	vmul.f32 v39, v19;
	_ =	sdelay $0x1  }
0x157: {  	v17 =	vadd.f32 v18, v17;
	_ =	sdelay $0x1  }
0x158: {  	[tilespmem:$0x11B80] =	vst v17  }
0x159: {  	v17 =	vld [tilespmem:s20+$0x5480]  }
0x15a: {  	v18 =	vld [tilespmem:s20+$0xA480]  }
0x15b: {  	v19 =	vld [tilespmem:s20+$0x5490]  }
0x15c: {  	v40 =	vld [tilespmem:s20+$0xA490]  }
0x15d: {  	v41 =	vld [tilespmem:s20+$0x54A0]  }
0x15e: {  	v42 =	vld [tilespmem:s20+$0xA4A0]  }
0x15f: {  	v43 =	vld [tilespmem:s20+$0x54B0]  }
0x160: {  	v44 =	vld [tilespmem:s20+$0xA4B0]  }
0x161: {  	v45 =	vld [tilespmem:s20+$0xA4C0];
	v17 =	vmul.f32 v18, v17;
	v18 =	vmul.f32 v40, v19  }
0x162: {  	v19 =	vld [tilespmem:s20+$0x54C0]  }
0x163: {  	v46 =	vld [tilespmem:s20+$0x54D0];
	v17 =	vadd.f32 v18, v17;
	v18 =	vmul.f32 v42, v41  }
0x164: {  	v47 =	vld [tilespmem:s20+$0xA4D0]  }
0x165: {  	v48 =	vld [tilespmem:s20+$0x54E0];
	v17 =	vadd.f32 v18, v17;
	v18 =	vmul.f32 v44, v43  }
0x166: {  	v49 =	vld [tilespmem:s20+$0xA4E0]  }
0x167: {  	v50 =	vld [tilespmem:s20+$0xA4F0];
	v17 =	vadd.f32 v18, v17;
	v18 =	vmul.f32 v45, v19  }
0x168: {  	v19 =	vld [tilespmem:s20+$0x54F0]  }
0x169: {  	v17 =	vadd.f32 v18, v17;
	v18 =	vmul.f32 v47, v46;
	_ =	sdelay $0x1  }
0x16a: {  	v17 =	vadd.f32 v18, v17;
	v18 =	vmul.f32 v49, v48;
	_ =	sdelay $0x1  }
0x16b: {  	v17 =	vadd.f32 v18, v17;
	v18 =	vmul.f32 v50, v19;
	_ =	sdelay $0x1  }
0x16c: {  	v17 =	vadd.f32 v18, v17;
	_ =	sdelay $0x1  }
0x16d: {  	[tilespmem:$0x11C00] =	vst v17  }
0x16e: {  	v17 =	vld [tilespmem:s20+$0x5500]  }
0x16f: {  	v18 =	vld [tilespmem:s20+$0xA500]  }
0x170: {  	v19 =	vld [tilespmem:s20+$0x5510]  }
0x171: {  	v51 =	vld [tilespmem:s20+$0xA510]  }
0x172: {  	v52 =	vld [tilespmem:s20+$0x5520]  }
0x173: {  	v53 =	vld [tilespmem:s20+$0xA520]  }
0x174: {  	v54 =	vld [tilespmem:s20+$0x5530]  }
0x175: {  	v55 =	vld [tilespmem:s20+$0xA530]  }
0x176: {  	v56 =	vld [tilespmem:s20+$0xA540];
	v17 =	vmul.f32 v18, v17;
	v18 =	vmul.f32 v51, v19  }
0x177: {  	v19 =	vld [tilespmem:s20+$0x5540]  }
0x178: {  	v57 =	vld [tilespmem:s20+$0x5550];
	v17 =	vadd.f32 v18, v17;
	v18 =	vmul.f32 v53, v52  }
0x179: {  	v58 =	vld [tilespmem:s20+$0xA550]  }
0x17a: {  	v59 =	vld [tilespmem:s20+$0x5560];
	v17 =	vadd.f32 v18, v17;
	v18 =	vmul.f32 v55, v54  }
0x17b: {  	v60 =	vld [tilespmem:s20+$0xA560]  }
0x17c: {  	v61 =	vld [tilespmem:s20+$0xA570];
	v17 =	vadd.f32 v18, v17;
	v18 =	vmul.f32 v56, v19  }
0x17d: {  	v19 =	vld [tilespmem:s20+$0x5570]  }
0x17e: {  	v17 =	vadd.f32 v18, v17;
	v18 =	vmul.f32 v58, v57;
	_ =	sdelay $0x1  }
0x17f: {  	v17 =	vadd.f32 v18, v17;
	v18 =	vmul.f32 v60, v59;
	_ =	sdelay $0x1  }
0x180: {  	v17 =	vadd.f32 v18, v17;
	v18 =	vmul.f32 v61, v19;
	_ =	sdelay $0x1  }
0x181: {  	v17 =	vadd.f32 v18, v17;
	_ =	sdelay $0x1  }
0x182: {  	[tilespmem:$0x11C80] =	vst v17  }
0x183: {  	v17 =	vld [tilespmem:s20+$0x5580]  }
0x184: {  	v18 =	vld [tilespmem:s20+$0xA580]  }
0x185: {  	v19 =	vld [tilespmem:s20+$0x5590]  }
0x186: {  	v62 =	vld [tilespmem:s20+$0xA590]  }
0x187: {  	v63 =	vld [tilespmem:s20+$0x55A0]  }
0x188: {  	v28 =	vld [tilespmem:s20+$0xA5A0]  }
0x189: {  	v29 =	vld [tilespmem:s20+$0x55B0]  }
0x18a: {  	v30 =	vld [tilespmem:s20+$0xA5B0]  }
0x18b: {  	v31 =	vld [tilespmem:s20+$0xA5C0];
	v17 =	vmul.f32 v18, v17;
	v18 =	vmul.f32 v62, v19  }
0x18c: {  	v19 =	vld [tilespmem:s20+$0x55C0]  }
0x18d: {  	v32 =	vld [tilespmem:s20+$0x55D0];
	v17 =	vadd.f32 v18, v17;
	v18 =	vmul.f32 v28, v63  }
0x18e: {  	v33 =	vld [tilespmem:s20+$0xA5D0]  }
0x18f: {  	v34 =	vld [tilespmem:s20+$0x55E0];
	v17 =	vadd.f32 v18, v17;
	v18 =	vmul.f32 v30, v29  }
0x190: {  	v35 =	vld [tilespmem:s20+$0xA5E0]  }
0x191: {  	v36 =	vld [tilespmem:s20+$0xA5F0];
	v17 =	vadd.f32 v18, v17;
	v18 =	vmul.f32 v31, v19  }
0x192: {  	v19 =	vld [tilespmem:s20+$0x55F0]  }
0x193: {  	v17 =	vadd.f32 v18, v17;
	v18 =	vmul.f32 v33, v32;
	_ =	sdelay $0x1  }
0x194: {  	v17 =	vadd.f32 v18, v17;
	v18 =	vmul.f32 v35, v34;
	_ =	sdelay $0x1  }
0x195: {  	v17 =	vadd.f32 v18, v17;
	v18 =	vmul.f32 v36, v19;
	_ =	sdelay $0x1  }
0x196: {  	v17 =	vadd.f32 v18, v17;
	_ =	sdelay $0x1  }
0x197: {  	[tilespmem:$0x11D00] =	vst v17  }
0x198: {  	v17 =	vld [tilespmem:s20+$0x5600]  }
0x199: {  	v18 =	vld [tilespmem:s20+$0xA600]  }
0x19a: {  	v19 =	vld [tilespmem:s20+$0x5610]  }
0x19b: {  	v37 =	vld [tilespmem:s20+$0xA610]  }
0x19c: {  	v38 =	vld [tilespmem:s20+$0x5620]  }
0x19d: {  	v39 =	vld [tilespmem:s20+$0xA620]  }
0x19e: {  	v40 =	vld [tilespmem:s20+$0x5630]  }
0x19f: {  	v41 =	vld [tilespmem:s20+$0xA630]  }
0x1a0: {  	v42 =	vld [tilespmem:s20+$0xA640];
	v17 =	vmul.f32 v18, v17;
	v18 =	vmul.f32 v37, v19  }
0x1a1: {  	v19 =	vld [tilespmem:s20+$0x5640]  }
0x1a2: {  	v43 =	vld [tilespmem:s20+$0x5650];
	v17 =	vadd.f32 v18, v17;
	v18 =	vmul.f32 v39, v38  }
0x1a3: {  	v44 =	vld [tilespmem:s20+$0xA650]  }
0x1a4: {  	v45 =	vld [tilespmem:s20+$0x5660];
	v17 =	vadd.f32 v18, v17;
	v18 =	vmul.f32 v41, v40  }
0x1a5: {  	v46 =	vld [tilespmem:s20+$0xA660]  }
0x1a6: {  	v47 =	vld [tilespmem:s20+$0xA670];
	v17 =	vadd.f32 v18, v17;
	v18 =	vmul.f32 v42, v19  }
0x1a7: {  	v19 =	vld [tilespmem:s20+$0x5670]  }
0x1a8: {  	v17 =	vadd.f32 v18, v17;
	v18 =	vmul.f32 v44, v43;
	_ =	sdelay $0x1  }
0x1a9: {  	v17 =	vadd.f32 v18, v17;
	v18 =	vmul.f32 v46, v45;
	_ =	sdelay $0x1  }
0x1aa: {  	v17 =	vadd.f32 v18, v17;
	v18 =	vmul.f32 v47, v19;
	_ =	sdelay $0x1  }
0x1ab: {  	v17 =	vadd.f32 v18, v17;
	_ =	sdelay $0x1  }
0x1ac: {  	[tilespmem:$0x11D80] =	vst v17  }
0x1ad: {  	v17 =	vld [tilespmem:s20+$0x5680]  }
0x1ae: {  	v18 =	vld [tilespmem:s20+$0xA680]  }
0x1af: {  	v19 =	vld [tilespmem:s20+$0x5690]  }
0x1b0: {  	v48 =	vld [tilespmem:s20+$0xA690]  }
0x1b1: {  	v49 =	vld [tilespmem:s20+$0x56A0]  }
0x1b2: {  	v50 =	vld [tilespmem:s20+$0xA6A0]  }
0x1b3: {  	v51 =	vld [tilespmem:s20+$0x56B0]  }
0x1b4: {  	v52 =	vld [tilespmem:s20+$0xA6B0]  }
0x1b5: {  	v53 =	vld [tilespmem:s20+$0xA6C0];
	v17 =	vmul.f32 v18, v17;
	v18 =	vmul.f32 v48, v19  }
0x1b6: {  	v19 =	vld [tilespmem:s20+$0x56C0]  }
0x1b7: {  	v54 =	vld [tilespmem:s20+$0x56D0];
	v17 =	vadd.f32 v18, v17;
	v18 =	vmul.f32 v50, v49  }
0x1b8: {  	v55 =	vld [tilespmem:s20+$0xA6D0]  }
0x1b9: {  	v56 =	vld [tilespmem:s20+$0x56E0];
	v17 =	vadd.f32 v18, v17;
	v18 =	vmul.f32 v52, v51  }
0x1ba: {  	v57 =	vld [tilespmem:s20+$0xA6E0]  }
0x1bb: {  	v58 =	vld [tilespmem:s20+$0xA6F0];
	v17 =	vadd.f32 v18, v17;
	v18 =	vmul.f32 v53, v19  }
0x1bc: {  	v19 =	vld [tilespmem:s20+$0x56F0]  }
0x1bd: {  	v17 =	vadd.f32 v18, v17;
	v18 =	vmul.f32 v55, v54;
	_ =	sdelay $0x1  }
0x1be: {  	v17 =	vadd.f32 v18, v17;
	v18 =	vmul.f32 v57, v56;
	_ =	sdelay $0x1  }
0x1bf: {  	v17 =	vadd.f32 v18, v17;
	v18 =	vmul.f32 v58, v19;
	_ =	sdelay $0x1  }
0x1c0: {  	v17 =	vadd.f32 v18, v17;
	_ =	sdelay $0x1  }
0x1c1: {  	[tilespmem:$0x11E00] =	vst v17  }
0x1c2: {  	v17 =	vld.idx.msk [tilespmem:v0+s13+$0x0], $0xffff;
	_ =	sdelay $0x1  }
0x1c3: {  	v18 =	vld.idx.msk [tilespmem:v1+s13+$0x0], $0xffff;
	_ =	sdelay $0x1  }
0x1c4: {  	v19 =	vld.idx.msk [tilespmem:v2+s13+$0x0], $0xffff  }
0x1c5: {  	v17 =	vadd.f32 $0.0e+00, v17  }
0x1c6: {  	v59 =	vld.idx.msk [tilespmem:v3+s13+$0x0], $0xffff  }
0x1c7: {  	v17 =	vadd.f32 v18, v17  }
0x1c8: {  	v18 =	vld.idx.msk [tilespmem:v4+s13+$0x0], $0xffff  }
0x1c9: {  	v17 =	vadd.f32 v19, v17  }
0x1ca: {  	v19 =	vld.idx.msk [tilespmem:v5+s13+$0x0], $0xffff  }
0x1cb: {  	v17 =	vadd.f32 v59, v17  }
0x1cc: {  	v60 =	vld.idx.msk [tilespmem:v6+s13+$0x0], $0xffff  }
0x1cd: {  	v17 =	vadd.f32 v18, v17  }
0x1ce: {  	v18 =	vld.idx.msk [tilespmem:v7+s13+$0x0], $0xffff  }
0x1cf: {  	v17 =	vadd.f32 v19, v17  }
0x1d0: {  	v19 =	vld.idx.msk [tilespmem:v8+s13+$0x0], $0xffff  }
0x1d1: {  	v17 =	vadd.f32 v60, v17  }
0x1d2: {  	v61 =	vld.idx.msk [tilespmem:v9+s13+$0x0], $0xffff  }
0x1d3: {  	v17 =	vadd.f32 v18, v17  }
0x1d4: {  	v18 =	vld.idx.msk [tilespmem:v10+s13+$0x0], $0xffff  }
0x1d5: {  	v17 =	vadd.f32 v19, v17  }
0x1d6: {  	v19 =	vld.idx.msk [tilespmem:v11+s13+$0x0], $0xffff  }
0x1d7: {  	v17 =	vadd.f32 v61, v17  }
0x1d8: {  	v62 =	vld.idx.msk [tilespmem:v12+s13+$0x0], $0xffff  }
0x1d9: {  	v17 =	vadd.f32 v18, v17  }
0x1da: {  	v18 =	vld.idx.msk [tilespmem:v13+s13+$0x0], $0xffff  }
0x1db: {  	v17 =	vadd.f32 v19, v17  }
0x1dc: {  	v19 =	vld.idx.msk [tilespmem:v14+s13+$0x0], $0xffff  }
0x1dd: {  	v17 =	vadd.f32 v62, v17  }
0x1de: {  	v63 =	vld.idx.msk [tilespmem:v15+s13+$0x0], $0xffff  }
0x1df: {  	v17 =	vadd.f32 v18, v17;
	_ =	sdelay $0x1  }
0x1e0: {  	v17 =	vadd.f32 v19, v17;
	_ =	sdelay $0x1  }
0x1e1: {  	v17 =	vadd.f32 v63, v17;
	_ =	sdelay $0x1  }
0x1e2: {  	v17 =	vsub.f32 $0.0e+00, v17;
	_ =	sdelay $0x1  }
0x1e3: {  	v17 =	vmul.f32 $1.442695020e+00, v17;
	_ =	sdelay $0x1  }
0x1e4: {  	(erf) = vpow2.f32 v17;
	_ =	sdelay $0x8  }
0x1e5: {  	v17 =	vpop (erf)  }
0x1e6: {  	v17 =	vadd.f32 $1.000000000e+00, v17;
	_ =	sdelay $0x1  }
0x1e7: {  	(erf) = vrcp.f32 v17;
	_ =	sdelay $0x4  }
0x1e8: {  	p0 =	seq.s32 s18, $0x4  }
.Ltmp0:
0x1e9: {  	_ = 	snop;
	(pc) =	sbr.rel @!p0 .LBB2_4-.Ltmp0, $3  }
0x1ea: {  	_ =	sdelay $0x1  }
0x1eb: {  	v17 =	vpop (erf)  }
0x1ec: {  	s18 =	sadd.s32 $0x1, s18;
	[tilespmem:v16+s19+$0x0 ss:$0x1] =	vst.idx.msk $0xffff, v17  }
0x1ed: {  	p0 =	seq.s32 s16, $0x7D  }
.Ltmp1:
0x1ee: {  	_ = 	snop;
	(pc) =	sbr.rel @!p0 .LBB2_3-.Ltmp1, $1  }
0x1ef: {  	_ =	sdelay $0x3  }
0x1f0: {  	s15 =	sadd.s32 $0x1, s15  }
0x1f1: {  	p0 =	sne.s32 s15, s7  }
.Ltmp2:
0x1f2: {  	_ = 	snop;
	(pc) =	sbr.rel @p0 .LBB2_1-.Ltmp2, $4  }
0x1f3: {  	[hbm4b:s6+s3] =	stream.linear.scatter [tilespmem:s14], [sflag:$0x5], $0x2710, $0x38;
	[tilespmem:$0x11E80] =	vst v63  }
0x1f4: {  	_ =	swait.ge [sflag:s8], $0x2710  }
0x1f5: {  	[sflag:s8] =	ssyncset.done $0x0  }
0x1f6: {  	[sflag:s8] =	ssyncadd.s32 $0xFFFFD8F0  }
0x1f7: {  	_ =	sfence.sel $0x180000  }
0x1f8: {  	[bflag:$0x0] =	sbarrier.arrive $0xFFFF  }
0x1f9: {  	p0 =	sne.s32 s1, $0x0;
	_ =	strace $0x90000047  }
0x1fa: {  	s0 =	sadd.s32 @!p0 $0x100000, s2;
	[bflag:$0x2] =	sbarrier.arrive $0xFFFF  }
0x1fb: {  	[sflag:s0] =	ssyncadd.tile.s32 @!p0 $0x1;
	_ =	shalt  }
.Lfunc_end2:
_tile_overlayer_lowered:
.L_overlay_start_2:
0x1fc: {  	(tag) =	ssettag $0x2  }
0x1fd: {  	s0 =	rddreg [dreg:$0x0];
	s2 =	stileid.u32  }
0x1fe: {  	s1 =	rddreg [dreg:$0x1];
	p0 =	sne.s32 s2, $0x0  }
0x1ff: {  	s3 =	rddreg [dreg:$0x2];
	[bflag:$0x3] =	sbarrier.arrive $0xFFFF;
	s2 =	simm.s32 @!p0 $0x1C05  }
0x200: {  	[timem:s3], [sflag:s2] =	dma.local @!p0 [hbm:s0], s1  }
0x201: {  	s0 =	simm.s32 @!p0 $0x5  }
0x202: {  	_ =	swait.ge @!p0 [sflag:s0], s1  }
0x203: {  	s1 =	ssub.s32 @!p0 $0x0, s1;
	[sflag:s0] =	ssyncset.done @!p0 $0x0  }
0x204: {  	[sflag:s0] =	ssyncadd.s32 @!p0 s1  }
0x205: {  	[bflag:$0x3] =	sbarrier.arrive $0xFFFF  }
0x206: {  	_ =	shalt  }

</sc_bundles>
